<compile_context>
chip_gen: v7x
topology: tpu7x:2x2x1
jax: 0.10.2.dev20260603
libtpu: 0.0.44.dev20260713+nightly
codegen_flags: <defaults>
</compile_context>

<pallas_src>
import jax
import jax.numpy as jnp
from jax import lax
from jax.experimental import pallas as pl
from jax.experimental.pallas import tpu as pltpu
from jax.experimental.pallas import tpu_sc as plsc

BS = 16384
N_CARDS = 20
DIM = 128
NBINS = 80
SUIT_OFF = 16
CARD_OFF = 24
NSLOT = 3 * N_CARDS
NC, NS = 2, 16
NW = NC * NS
ROWS = BS // NW
GROUPS = ROWS // 16
_CHUNK = 10


def _sc_hist_body(idx_hbm, counts_hbm, idx_v, counts_v, sem_in, sem_o1, sem_o2):
    wid = lax.axis_index("s") * NC + lax.axis_index("c")
    base = wid * ROWS

    stage1 = pltpu.make_async_copy(
        idx_hbm.at[:, pl.ds(base, ROWS // 2)],
        idx_v.at[:, pl.ds(0, ROWS // 2)], sem_in)
    stage2 = pltpu.make_async_copy(
        idx_hbm.at[:, pl.ds(base + ROWS // 2, ROWS // 2)],
        idx_v.at[:, pl.ds(ROWS // 2, ROWS // 2)], sem_in)
    stage1.start()
    stage2.start()

    zeros16 = jnp.zeros((16,), jnp.float32)

    def _zero(r, carry):
        for c in range(ROWS // (16 * 8)):
            for k in range(8):
                counts_v[r, pl.ds(c * 128 + k * 16, 16)] = zeros16
        return carry

    lax.fori_loop(0, NBINS, _zero, 0)
    stage1.wait()

    iota16 = lax.iota(jnp.int32, 16)
    ones16 = jnp.ones((16,), jnp.float32)
    n_chunks = NSLOT // _CHUNK

    QROWS = ROWS // 4
    outs = [
        pltpu.make_async_copy(
            counts_v.at[:, pl.ds(q * QROWS, QROWS)],
            counts_hbm.at[:, pl.ds(base + q * QROWS, QROWS)], sem)
        for q, sem in zip(range(4), (sem_o1, sem_o2, sem_o1, sem_o2))
    ]

    def _group(g, carry):
        row16 = g * 16 + iota16

        def _chunk(c, carry2):
            thr = jnp.where(c < 2, 0, jnp.where(c < 4, SUIT_OFF, CARD_OFF))
            vs = [idx_v[c * _CHUNK + k, pl.ds(g * 16, 16)]
                  for k in range(_CHUNK)]
            ms = [vs[k] >= thr for k in range(_CHUNK)]
            for k in range(_CHUNK):
                plsc.addupdate_scatter(counts_v, [vs[k], row16], ones16,
                                       mask=ms[k])
            return carry2

        lax.fori_loop(0, n_chunks, _chunk, 0)

        @pl.when(g == GROUPS // 4 - 1)
        def _q1():
            stage2.wait()
            outs[0].start()

        @pl.when(g == GROUPS // 2 - 1)
        def _q2():
            outs[1].start()

        @pl.when(g == 3 * GROUPS // 4 - 1)
        def _q3():
            outs[2].start()

        return carry

    lax.fori_loop(0, GROUPS, _group, 0)
    outs[3].start()
    for o in outs:
        o.wait()


_sc_hist = pl.kernel(
    _sc_hist_body,
    out_type=jax.ShapeDtypeStruct((NBINS, BS), jnp.float32),
    mesh=plsc.VectorSubcoreMesh(core_axis_name="c", subcore_axis_name="s"),
    compiler_params=pltpu.CompilerParams(needs_layout_passes=False),
    scratch_types=[
        pltpu.VMEM((64, ROWS), jnp.int32),
        pltpu.VMEM((NBINS, ROWS), jnp.float32),
        pltpu.SemaphoreType.DMA,
        pltpu.SemaphoreType.DMA,
        pltpu.SemaphoreType.DMA,
    ],
)


def _matmul_body(c_ref, rank_ref, suit_ref, card_ref, o_ref, t_ref):
    @pl.when(pl.program_id(0) == 0)
    def _assemble():
        t_ref[...] = jnp.zeros((NBINS, DIM), jnp.float32)
        t_ref[0:13, :] = rank_ref[...]
        t_ref[SUIT_OFF:SUIT_OFF + 4, :] = suit_ref[...]
        t_ref[CARD_OFF:CARD_OFF + 52, :] = card_ref[...]

    o_ref[...] = lax.dot_general(c_ref[...], t_ref[...],
                                 (((0,), (0,)), ((), ())),
                                 preferred_element_type=jnp.float32)


_BLK = 8192

_matmul = pl.pallas_call(
    _matmul_body,
    grid=(BS // _BLK,),
    in_specs=[
        pl.BlockSpec((NBINS, _BLK), lambda i: (0, i)),
        pl.BlockSpec((13, DIM), lambda i: (0, 0)),
        pl.BlockSpec((4, DIM), lambda i: (0, 0)),
        pl.BlockSpec((52, DIM), lambda i: (0, 0)),
    ],
    out_specs=pl.BlockSpec((_BLK, DIM), lambda i: (i, 0)),
    out_shape=jax.ShapeDtypeStruct((BS, DIM), jnp.float32),
    scratch_shapes=[pltpu.VMEM((NBINS, DIM), jnp.float32)],
)


def kernel(ranks, suits, cards, rank_table, suit_table, card_table):
    idx = jnp.concatenate(
        [ranks.T, suits.T + SUIT_OFF, cards.T + CARD_OFF,
         jnp.zeros((64 - NSLOT, BS), jnp.int32)], axis=0)
    counts = _sc_hist(idx)
    return _matmul(counts, rank_table, suit_table, card_table)

# --- scband reference (transcript-rebuilt; emitter-appended) ---
"""Pipeline reference for scband-card-group-emb-14293651161128 (READ-ONLY COPY).

The authoritative reference and input builder live on the scoring server;
editing this copy changes nothing except your own understanding.
"""

import jax, jax.numpy as jnp
import numpy as np

BS = 16384
N_CARDS = 20
DIM = 128
NUM_CARDS = 52

def setup_inputs(seed: int = 0) -> dict:
    key = jax.random.key(seed)
    k1, k2, k3, k4, k5, k6 = jax.random.split(key, 6)
    ranks = jax.random.randint(k1, (BS, N_CARDS), 0, 13, dtype=jnp.int64 if jax.config.jax_enable_x64 else jnp.int32).astype(jnp.int32)
    suits = jax.random.randint(k2, (BS, N_CARDS), 0, 4).astype(jnp.int32)
    cards = jax.random.randint(k3, (BS, N_CARDS), 0, NUM_CARDS).astype(jnp.int32)
    rank_table = jax.random.normal(k4, (13, DIM), dtype=jnp.float32)
    suit_table = jax.random.normal(k5, (4, DIM), dtype=jnp.float32)
    card_table = jax.random.normal(k6, (NUM_CARDS, DIM), dtype=jnp.float32)
    return {"ranks": ranks, "suits": suits, "cards": cards,
            "rank_table": rank_table, "suit_table": suit_table, "card_table": card_table}

def reference(ranks, suits, cards, rank_table, suit_table, card_table):
    bs, n_cards = cards.shape
    r = ranks.reshape(-1)
    valid_r = (r >= 0).astype(jnp.float32)[:, None]
    r = jnp.clip(r, 0, None)
    embs = jnp.take(rank_table, r, axis=0) * valid_r
    s = suits.reshape(-1)
    c = cards.reshape(-1)
    valid_s = (s >= 0).astype(jnp.float32)[:, None]
    valid_c = (c >= 0).astype(jnp.float32)[:, None]
    s = jnp.clip(s, 0, None)
    c = jnp.clip(c, 0, None)
    embs = embs + jnp.take(card_table, c, axis=0) * valid_c + jnp.take(suit_table, s, axis=0) * valid_s
    return embs.reshape(bs, n_cards, -1).sum(axis=1)

if False:  # reference __main__ guard neutralized (emitter)
    out = reference(**setup_inputs())
    print(out.shape)

if __name__ == "__main__":
    import jax
    _d = setup_inputs()
    print(jax.jit(kernel)(*tuple(_d.values())))

</pallas_src>

<mosaic_0001>
#map = affine_map<(d0, d1) -> (0, 0)>
module attributes {stable_mosaic.version = 14 : i64} {
  func.func @_sc_hist_body(%arg0: i32, %arg1: i32, %arg2: memref<64x16384xi32, #tpu.memory_space<hbm>>, %arg3: memref<80x16384xf32, #tpu.memory_space<hbm>>, %arg4: memref<64x512xi32, #tpu.memory_space<vmem>>, %arg5: memref<80x512xf32, #tpu.memory_space<vmem>>, %arg6: memref<!tpu.dma_semaphore, #tpu.memory_space<semaphore_mem>>, %arg7: memref<!tpu.dma_semaphore, #tpu.memory_space<semaphore_mem>>, %arg8: memref<!tpu.dma_semaphore, #tpu.memory_space<semaphore_mem>>) attributes {dimension_semantics = [#tpu.dimension_semantics<core_parallel>, #tpu.dimension_semantics<subcore_parallel>], iteration_bounds = array<i64: 2, 16>, scalar_prefetch = 0 : i64, scratch_operands = 5 : i64, tpu.core_type = #tpu.core_type<sc_vector_subcore>, window_params = [{transform_indices = #map}, {transform_indices = #map}]} {
    %mul3A = arith.constant 2 : i32
    %mul3A_0 = arith.muli %arg1, %mul3A : i32
    %add3A = arith.addi %mul3A_0, %arg0 : i32
    %mul3A_1 = arith.constant 512 : i32
    %mul3A_2 = arith.muli %add3A, %mul3A_1 : i32
    %add3A_3 = arith.constant 256 : i32
    %add3A_4 = arith.addi %mul3A_2, %add3A_3 : i32
    %dma_start3A = arith.constant 0 : i32
    %dma_start3A_5 = arith.constant 0 : i32
    %dma_start3A_6 = tpu.memref_slice %arg4[%dma_start3A, %dma_start3A_5] : memref<64x512xi32, #tpu.memory_space<vmem>> -> memref<64x256xi32, #tpu.memory_space<vmem>>
    %dma_start3A_7 = arith.constant 0 : i32
    %dma_start3A_8 = tpu.memref_slice %arg2[%dma_start3A_7, %mul3A_2] : memref<64x16384xi32, #tpu.memory_space<hbm>> -> memref<64x256xi32, #tpu.memory_space<hbm>>
    %dma_start3A_9 = arith.constant 0 : i32
    %dma_start3A_10 = arith.constant 0 : i32
    %dma_start3A_11 = tpu.memref_slice %arg4[%dma_start3A_9, %dma_start3A_10] : memref<64x512xi32, #tpu.memory_space<vmem>> -> memref<64x256xi32, #tpu.memory_space<vmem>>
    %dma_start3A_12 = arith.constant 0 : i32
    %dma_start3A_13 = tpu.memref_slice %arg2[%dma_start3A_12, %mul3A_2] : memref<64x16384xi32, #tpu.memory_space<hbm>> -> memref<64x256xi32, #tpu.memory_space<hbm>>
    tpu.enqueue_dma source(%dma_start3A_13 : memref<64x256xi32, #tpu.memory_space<hbm>>) target(%dma_start3A_11 : memref<64x256xi32, #tpu.memory_space<vmem>>) target_semaphore(%arg6 : memref<!tpu.dma_semaphore, #tpu.memory_space<semaphore_mem>>)
    %dma_start3A_14 = arith.constant 0 : i32
    %dma_start3A_15 = arith.constant 256 : i32
    %dma_start3A_16 = tpu.memref_slice %arg4[%dma_start3A_14, %dma_start3A_15] : memref<64x512xi32, #tpu.memory_space<vmem>> -> memref<64x256xi32, #tpu.memory_space<vmem>>
    %dma_start3A_17 = arith.constant 0 : i32
    %dma_start3A_18 = tpu.memref_slice %arg2[%dma_start3A_17, %add3A_4] : memref<64x16384xi32, #tpu.memory_space<hbm>> -> memref<64x256xi32, #tpu.memory_space<hbm>>
    %dma_start3A_19 = arith.constant 0 : i32
    %dma_start3A_20 = arith.constant 256 : i32
    %dma_start3A_21 = tpu.memref_slice %arg4[%dma_start3A_19, %dma_start3A_20] : memref<64x512xi32, #tpu.memory_space<vmem>> -> memref<64x256xi32, #tpu.memory_space<vmem>>
    %dma_start3A_22 = arith.constant 0 : i32
    %dma_start3A_23 = tpu.memref_slice %arg2[%dma_start3A_22, %add3A_4] : memref<64x16384xi32, #tpu.memory_space<hbm>> -> memref<64x256xi32, #tpu.memory_space<hbm>>
    tpu.enqueue_dma source(%dma_start3A_23 : memref<64x256xi32, #tpu.memory_space<hbm>>) target(%dma_start3A_21 : memref<64x256xi32, #tpu.memory_space<vmem>>) target_semaphore(%arg6 : memref<!tpu.dma_semaphore, #tpu.memory_space<semaphore_mem>>)
    %broadcast_in_dim3A = arith.constant 0.000000e+00 : f32
    %broadcast_in_dim3A_24 = vector.broadcast %broadcast_in_dim3A : f32 to vector<16xf32>
    %scan3A = arith.constant 0 : i32
    %scan3A_25 = arith.constant 0 : i32
    %scan3A_26 = arith.constant 80 : i32
    %scan3A_27 = arith.addi %scan3A_25, %scan3A_26 : i32
    %scan3A_28 = arith.constant 1 : i32
    scf.for %scan3A_105 = %scan3A_25 to %scan3A_27 step %scan3A_28  : i32 {
      %swap3A = arith.index_cast %scan3A_105 : i32 to index
      %swap3A_106 = arith.constant 0 : index
      %swap3A_107 = tpu.vector_load %arg5[%swap3A, %swap3A_106] {strides = array<i32>} : memref<80x512xf32, #tpu.memory_space<vmem>>, vector<16xf32>,
      tpu.vector_store %arg5[%swap3A, %swap3A_106], %broadcast_in_dim3A_24 {strides = array<i32>} : memref<80x512xf32, #tpu.memory_space<vmem>>, vector<16xf32>,
      %swap3A_108 = arith.index_cast %scan3A_105 : i32 to index
      %swap3A_109 = arith.constant 16 : index
      %swap3A_110 = tpu.vector_load %arg5[%swap3A_108, %swap3A_109] {strides = array<i32>} : memref<80x512xf32, #tpu.memory_space<vmem>>, vector<16xf32>,
      tpu.vector_store %arg5[%swap3A_108, %swap3A_109], %broadcast_in_dim3A_24 {strides = array<i32>} : memref<80x512xf32, #tpu.memory_space<vmem>>, vector<16xf32>,
      %swap3A_111 = arith.index_cast %scan3A_105 : i32 to index
      %swap3A_112 = arith.constant 32 : index
      %swap3A_113 = tpu.vector_load %arg5[%swap3A_111, %swap3A_112] {strides = array<i32>} : memref<80x512xf32, #tpu.memory_space<vmem>>, vector<16xf32>,
      tpu.vector_store %arg5[%swap3A_111, %swap3A_112], %broadcast_in_dim3A_24 {strides = array<i32>} : memref<80x512xf32, #tpu.memory_space<vmem>>, vector<16xf32>,
      %swap3A_114 = arith.index_cast %scan3A_105 : i32 to index
      %swap3A_115 = arith.constant 48 : index
      %swap3A_116 = tpu.vector_load %arg5[%swap3A_114, %swap3A_115] {strides = array<i32>} : memref<80x512xf32, #tpu.memory_space<vmem>>, vector<16xf32>,
      tpu.vector_store %arg5[%swap3A_114, %swap3A_115], %broadcast_in_dim3A_24 {strides = array<i32>} : memref<80x512xf32, #tpu.memory_space<vmem>>, vector<16xf32>,
      %swap3A_117 = arith.index_cast %scan3A_105 : i32 to index
      %swap3A_118 = arith.constant 64 : index
      %swap3A_119 = tpu.vector_load %arg5[%swap3A_117, %swap3A_118] {strides = array<i32>} : memref<80x512xf32, #tpu.memory_space<vmem>>, vector<16xf32>,
      tpu.vector_store %arg5[%swap3A_117, %swap3A_118], %broadcast_in_dim3A_24 {strides = array<i32>} : memref<80x512xf32, #tpu.memory_space<vmem>>, vector<16xf32>,
      %swap3A_120 = arith.index_cast %scan3A_105 : i32 to index
      %swap3A_121 = arith.constant 80 : index
      %swap3A_122 = tpu.vector_load %arg5[%swap3A_120, %swap3A_121] {strides = array<i32>} : memref<80x512xf32, #tpu.memory_space<vmem>>, vector<16xf32>,
      tpu.vector_store %arg5[%swap3A_120, %swap3A_121], %broadcast_in_dim3A_24 {strides = array<i32>} : memref<80x512xf32, #tpu.memory_space<vmem>>, vector<16xf32>,
      %swap3A_123 = arith.index_cast %scan3A_105 : i32 to index
      %swap3A_124 = arith.constant 96 : index
      %swap3A_125 = tpu.vector_load %arg5[%swap3A_123, %swap3A_124] {strides = array<i32>} : memref<80x512xf32, #tpu.memory_space<vmem>>, vector<16xf32>,
      tpu.vector_store %arg5[%swap3A_123, %swap3A_124], %broadcast_in_dim3A_24 {strides = array<i32>} : memref<80x512xf32, #tpu.memory_space<vmem>>, vector<16xf32>,
      %swap3A_126 = arith.index_cast %scan3A_105 : i32 to index
      %swap3A_127 = arith.constant 112 : index
      %swap3A_128 = tpu.vector_load %arg5[%swap3A_126, %swap3A_127] {strides = array<i32>} : memref<80x512xf32, #tpu.memory_space<vmem>>, vector<16xf32>,
      tpu.vector_store %arg5[%swap3A_126, %swap3A_127], %broadcast_in_dim3A_24 {strides = array<i32>} : memref<80x512xf32, #tpu.memory_space<vmem>>, vector<16xf32>,
      %swap3A_129 = arith.index_cast %scan3A_105 : i32 to index
      %swap3A_130 = arith.constant 128 : index
      %swap3A_131 = tpu.vector_load %arg5[%swap3A_129, %swap3A_130] {strides = array<i32>} : memref<80x512xf32, #tpu.memory_space<vmem>>, vector<16xf32>,
      tpu.vector_store %arg5[%swap3A_129, %swap3A_130], %broadcast_in_dim3A_24 {strides = array<i32>} : memref<80x512xf32, #tpu.memory_space<vmem>>, vector<16xf32>,
      %swap3A_132 = arith.index_cast %scan3A_105 : i32 to index
      %swap3A_133 = arith.constant 144 : index
      %swap3A_134 = tpu.vector_load %arg5[%swap3A_132, %swap3A_133] {strides = array<i32>} : memref<80x512xf32, #tpu.memory_space<vmem>>, vector<16xf32>,
      tpu.vector_store %arg5[%swap3A_132, %swap3A_133], %broadcast_in_dim3A_24 {strides = array<i32>} : memref<80x512xf32, #tpu.memory_space<vmem>>, vector<16xf32>,
      %swap3A_135 = arith.index_cast %scan3A_105 : i32 to index
      %swap3A_136 = arith.constant 160 : index
      %swap3A_137 = tpu.vector_load %arg5[%swap3A_135, %swap3A_136] {strides = array<i32>} : memref<80x512xf32, #tpu.memory_space<vmem>>, vector<16xf32>,
      tpu.vector_store %arg5[%swap3A_135, %swap3A_136], %broadcast_in_dim3A_24 {strides = array<i32>} : memref<80x512xf32, #tpu.memory_space<vmem>>, vector<16xf32>,
      %swap3A_138 = arith.index_cast %scan3A_105 : i32 to index
      %swap3A_139 = arith.constant 176 : index
      %swap3A_140 = tpu.vector_load %arg5[%swap3A_138, %swap3A_139] {strides = array<i32>} : memref<80x512xf32, #tpu.memory_space<vmem>>, vector<16xf32>,
      tpu.vector_store %arg5[%swap3A_138, %swap3A_139], %broadcast_in_dim3A_24 {strides = array<i32>} : memref<80x512xf32, #tpu.memory_space<vmem>>, vector<16xf32>,
      %swap3A_141 = arith.index_cast %scan3A_105 : i32 to index
      %swap3A_142 = arith.constant 192 : index
      %swap3A_143 = tpu.vector_load %arg5[%swap3A_141, %swap3A_142] {strides = array<i32>} : memref<80x512xf32, #tpu.memory_space<vmem>>, vector<16xf32>,
      tpu.vector_store %arg5[%swap3A_141, %swap3A_142], %broadcast_in_dim3A_24 {strides = array<i32>} : memref<80x512xf32, #tpu.memory_space<vmem>>, vector<16xf32>,
      %swap3A_144 = arith.index_cast %scan3A_105 : i32 to index
      %swap3A_145 = arith.constant 208 : index
      %swap3A_146 = tpu.vector_load %arg5[%swap3A_144, %swap3A_145] {strides = array<i32>} : memref<80x512xf32, #tpu.memory_space<vmem>>, vector<16xf32>,
      tpu.vector_store %arg5[%swap3A_144, %swap3A_145], %broadcast_in_dim3A_24 {strides = array<i32>} : memref<80x512xf32, #tpu.memory_space<vmem>>, vector<16xf32>,
      %swap3A_147 = arith.index_cast %scan3A_105 : i32 to index
      %swap3A_148 = arith.constant 224 : index
      %swap3A_149 = tpu.vector_load %arg5[%swap3A_147, %swap3A_148] {strides = array<i32>} : memref<80x512xf32, #tpu.memory_space<vmem>>, vector<16xf32>,
      tpu.vector_store %arg5[%swap3A_147, %swap3A_148], %broadcast_in_dim3A_24 {strides = array<i32>} : memref<80x512xf32, #tpu.memory_space<vmem>>, vector<16xf32>,
      %swap3A_150 = arith.index_cast %scan3A_105 : i32 to index
      %swap3A_151 = arith.constant 240 : index
      %swap3A_152 = tpu.vector_load %arg5[%swap3A_150, %swap3A_151] {strides = array<i32>} : memref<80x512xf32, #tpu.memory_space<vmem>>, vector<16xf32>,
      tpu.vector_store %arg5[%swap3A_150, %swap3A_151], %broadcast_in_dim3A_24 {strides = array<i32>} : memref<80x512xf32, #tpu.memory_space<vmem>>, vector<16xf32>,
      %swap3A_153 = arith.index_cast %scan3A_105 : i32 to index
      %swap3A_154 = arith.constant 256 : index
      %swap3A_155 = tpu.vector_load %arg5[%swap3A_153, %swap3A_154] {strides = array<i32>} : memref<80x512xf32, #tpu.memory_space<vmem>>, vector<16xf32>,
      tpu.vector_store %arg5[%swap3A_153, %swap3A_154], %broadcast_in_dim3A_24 {strides = array<i32>} : memref<80x512xf32, #tpu.memory_space<vmem>>, vector<16xf32>,
      %swap3A_156 = arith.index_cast %scan3A_105 : i32 to index
      %swap3A_157 = arith.constant 272 : index
      %swap3A_158 = tpu.vector_load %arg5[%swap3A_156, %swap3A_157] {strides = array<i32>} : memref<80x512xf32, #tpu.memory_space<vmem>>, vector<16xf32>,
      tpu.vector_store %arg5[%swap3A_156, %swap3A_157], %broadcast_in_dim3A_24 {strides = array<i32>} : memref<80x512xf32, #tpu.memory_space<vmem>>, vector<16xf32>,
      %swap3A_159 = arith.index_cast %scan3A_105 : i32 to index
      %swap3A_160 = arith.constant 288 : index
      %swap3A_161 = tpu.vector_load %arg5[%swap3A_159, %swap3A_160] {strides = array<i32>} : memref<80x512xf32, #tpu.memory_space<vmem>>, vector<16xf32>,
      tpu.vector_store %arg5[%swap3A_159, %swap3A_160], %broadcast_in_dim3A_24 {strides = array<i32>} : memref<80x512xf32, #tpu.memory_space<vmem>>, vector<16xf32>,
      %swap3A_162 = arith.index_cast %scan3A_105 : i32 to index
      %swap3A_163 = arith.constant 304 : index
      %swap3A_164 = tpu.vector_load %arg5[%swap3A_162, %swap3A_163] {strides = array<i32>} : memref<80x512xf32, #tpu.memory_space<vmem>>, vector<16xf32>,
      tpu.vector_store %arg5[%swap3A_162, %swap3A_163], %broadcast_in_dim3A_24 {strides = array<i32>} : memref<80x512xf32, #tpu.memory_space<vmem>>, vector<16xf32>,
      %swap3A_165 = arith.index_cast %scan3A_105 : i32 to index
      %swap3A_166 = arith.constant 320 : index
      %swap3A_167 = tpu.vector_load %arg5[%swap3A_165, %swap3A_166] {strides = array<i32>} : memref<80x512xf32, #tpu.memory_space<vmem>>, vector<16xf32>,
      tpu.vector_store %arg5[%swap3A_165, %swap3A_166], %broadcast_in_dim3A_24 {strides = array<i32>} : memref<80x512xf32, #tpu.memory_space<vmem>>, vector<16xf32>,
      %swap3A_168 = arith.index_cast %scan3A_105 : i32 to index
      %swap3A_169 = arith.constant 336 : index
      %swap3A_170 = tpu.vector_load %arg5[%swap3A_168, %swap3A_169] {strides = array<i32>} : memref<80x512xf32, #tpu.memory_space<vmem>>, vector<16xf32>,
      tpu.vector_store %arg5[%swap3A_168, %swap3A_169], %broadcast_in_dim3A_24 {strides = array<i32>} : memref<80x512xf32, #tpu.memory_space<vmem>>, vector<16xf32>,
      %swap3A_171 = arith.index_cast %scan3A_105 : i32 to index
      %swap3A_172 = arith.constant 352 : index
      %swap3A_173 = tpu.vector_load %arg5[%swap3A_171, %swap3A_172] {strides = array<i32>} : memref<80x512xf32, #tpu.memory_space<vmem>>, vector<16xf32>,
      tpu.vector_store %arg5[%swap3A_171, %swap3A_172], %broadcast_in_dim3A_24 {strides = array<i32>} : memref<80x512xf32, #tpu.memory_space<vmem>>, vector<16xf32>,
      %swap3A_174 = arith.index_cast %scan3A_105 : i32 to index
      %swap3A_175 = arith.constant 368 : index
      %swap3A_176 = tpu.vector_load %arg5[%swap3A_174, %swap3A_175] {strides = array<i32>} : memref<80x512xf32, #tpu.memory_space<vmem>>, vector<16xf32>,
      tpu.vector_store %arg5[%swap3A_174, %swap3A_175], %broadcast_in_dim3A_24 {strides = array<i32>} : memref<80x512xf32, #tpu.memory_space<vmem>>, vector<16xf32>,
      %swap3A_177 = arith.index_cast %scan3A_105 : i32 to index
      %swap3A_178 = arith.constant 384 : index
      %swap3A_179 = tpu.vector_load %arg5[%swap3A_177, %swap3A_178] {strides = array<i32>} : memref<80x512xf32, #tpu.memory_space<vmem>>, vector<16xf32>,
      tpu.vector_store %arg5[%swap3A_177, %swap3A_178], %broadcast_in_dim3A_24 {strides = array<i32>} : memref<80x512xf32, #tpu.memory_space<vmem>>, vector<16xf32>,
      %swap3A_180 = arith.index_cast %scan3A_105 : i32 to index
      %swap3A_181 = arith.constant 400 : index
      %swap3A_182 = tpu.vector_load %arg5[%swap3A_180, %swap3A_181] {strides = array<i32>} : memref<80x512xf32, #tpu.memory_space<vmem>>, vector<16xf32>,
      tpu.vector_store %arg5[%swap3A_180, %swap3A_181], %broadcast_in_dim3A_24 {strides = array<i32>} : memref<80x512xf32, #tpu.memory_space<vmem>>, vector<16xf32>,
      %swap3A_183 = arith.index_cast %scan3A_105 : i32 to index
      %swap3A_184 = arith.constant 416 : index
      %swap3A_185 = tpu.vector_load %arg5[%swap3A_183, %swap3A_184] {strides = array<i32>} : memref<80x512xf32, #tpu.memory_space<vmem>>, vector<16xf32>,
      tpu.vector_store %arg5[%swap3A_183, %swap3A_184], %broadcast_in_dim3A_24 {strides = array<i32>} : memref<80x512xf32, #tpu.memory_space<vmem>>, vector<16xf32>,
      %swap3A_186 = arith.index_cast %scan3A_105 : i32 to index
      %swap3A_187 = arith.constant 432 : index
      %swap3A_188 = tpu.vector_load %arg5[%swap3A_186, %swap3A_187] {strides = array<i32>} : memref<80x512xf32, #tpu.memory_space<vmem>>, vector<16xf32>,
      tpu.vector_store %arg5[%swap3A_186, %swap3A_187], %broadcast_in_dim3A_24 {strides = array<i32>} : memref<80x512xf32, #tpu.memory_space<vmem>>, vector<16xf32>,
      %swap3A_189 = arith.index_cast %scan3A_105 : i32 to index
      %swap3A_190 = arith.constant 448 : index
      %swap3A_191 = tpu.vector_load %arg5[%swap3A_189, %swap3A_190] {strides = array<i32>} : memref<80x512xf32, #tpu.memory_space<vmem>>, vector<16xf32>,
      tpu.vector_store %arg5[%swap3A_189, %swap3A_190], %broadcast_in_dim3A_24 {strides = array<i32>} : memref<80x512xf32, #tpu.memory_space<vmem>>, vector<16xf32>,
      %swap3A_192 = arith.index_cast %scan3A_105 : i32 to index
      %swap3A_193 = arith.constant 464 : index
      %swap3A_194 = tpu.vector_load %arg5[%swap3A_192, %swap3A_193] {strides = array<i32>} : memref<80x512xf32, #tpu.memory_space<vmem>>, vector<16xf32>,
      tpu.vector_store %arg5[%swap3A_192, %swap3A_193], %broadcast_in_dim3A_24 {strides = array<i32>} : memref<80x512xf32, #tpu.memory_space<vmem>>, vector<16xf32>,
      %swap3A_195 = arith.index_cast %scan3A_105 : i32 to index
      %swap3A_196 = arith.constant 480 : index
      %swap3A_197 = tpu.vector_load %arg5[%swap3A_195, %swap3A_196] {strides = array<i32>} : memref<80x512xf32, #tpu.memory_space<vmem>>, vector<16xf32>,
      tpu.vector_store %arg5[%swap3A_195, %swap3A_196], %broadcast_in_dim3A_24 {strides = array<i32>} : memref<80x512xf32, #tpu.memory_space<vmem>>, vector<16xf32>,
      %swap3A_198 = arith.index_cast %scan3A_105 : i32 to index
      %swap3A_199 = arith.constant 496 : index
      %swap3A_200 = tpu.vector_load %arg5[%swap3A_198, %swap3A_199] {strides = array<i32>} : memref<80x512xf32, #tpu.memory_space<vmem>>, vector<16xf32>,
      tpu.vector_store %arg5[%swap3A_198, %swap3A_199], %broadcast_in_dim3A_24 {strides = array<i32>} : memref<80x512xf32, #tpu.memory_space<vmem>>, vector<16xf32>,
    }
    %scan3A_29 = arith.constant 80 : i32
    %dma_wait3A = arith.constant 0 : i32
    %dma_wait3A_30 = arith.constant 0 : i32
    %dma_wait3A_31 = tpu.memref_slice %arg4[%dma_wait3A, %dma_wait3A_30] : memref<64x512xi32, #tpu.memory_space<vmem>> -> memref<64x256xi32, #tpu.memory_space<vmem>>
    %dma_wait3A_32 = arith.constant 0 : i32
    %dma_wait3A_33 = tpu.memref_slice %arg2[%dma_wait3A_32, %mul3A_2] : memref<64x16384xi32, #tpu.memory_space<hbm>> -> memref<64x256xi32, #tpu.memory_space<hbm>>
    %dma_wait3A_34 = arith.constant 0 : i32
    %dma_wait3A_35 = arith.constant 0 : i32
    %dma_wait3A_36 = tpu.memref_slice %arg4[%dma_wait3A_34, %dma_wait3A_35] : memref<64x512xi32, #tpu.memory_space<vmem>> -> memref<64x256xi32, #tpu.memory_space<vmem>>
    %dma_wait3A_37 = arith.constant 0 : i32
    %dma_wait3A_38 = tpu.memref_slice %arg2[%dma_wait3A_37, %mul3A_2] : memref<64x16384xi32, #tpu.memory_space<hbm>> -> memref<64x256xi32, #tpu.memory_space<hbm>>
    tpu.wait_dma2 semaphore(%arg6 : memref<!tpu.dma_semaphore, #tpu.memory_space<semaphore_mem>>) src(%dma_wait3A_38 : memref<64x256xi32, #tpu.memory_space<hbm>>) dst(%dma_wait3A_36 : memref<64x256xi32, #tpu.memory_space<vmem>>)
    %iota3A = tpu.iota {dimensions = array<i32: 0>} : vector<16xi32>
    %broadcast_in_dim3A_39 = arith.constant 1.000000e+00 : f32
    %broadcast_in_dim3A_40 = vector.broadcast %broadcast_in_dim3A_39 : f32 to vector<16xf32>
    %add3A_41 = arith.constant 0 : i32
    %add3A_42 = arith.addi %mul3A_2, %add3A_41 : i32
    %add3A_43 = arith.constant 128 : i32
    %add3A_44 = arith.addi %mul3A_2, %add3A_43 : i32
    %add3A_45 = arith.constant 256 : i32
    %add3A_46 = arith.addi %mul3A_2, %add3A_45 : i32
    %add3A_47 = arith.constant 384 : i32
    %add3A_48 = arith.addi %mul3A_2, %add3A_47 : i32
    %scan3A_49 = arith.constant 0 : i32
    %scan3A_50 = arith.constant 0 : i32
    %scan3A_51 = arith.constant 32 : i32
    %scan3A_52 = arith.addi %scan3A_50, %scan3A_51 : i32
    %scan3A_53 = arith.constant 1 : i32
    scf.for %scan3A_105 = %scan3A_50 to %scan3A_52 step %scan3A_53  : i32 {
      %mul3A_106 = arith.constant 16 : i32
      %mul3A_107 = arith.muli %scan3A_105, %mul3A_106 : i32
      %add3A_108 = vector.broadcast %mul3A_107 : i32 to vector<16xi32>
      %add3A_109 = arith.addi %add3A_108, %iota3A : vector<16xi32>
      %scan3A_110 = arith.constant 0 : i32
      %scan3A_111 = arith.constant 0 : i32
      %scan3A_112 = arith.constant 6 : i32
      %scan3A_113 = arith.addi %scan3A_111, %scan3A_112 : i32
      %scan3A_114 = arith.constant 1 : i32
      scf.for %scan3A_128 = %scan3A_111 to %scan3A_113 step %scan3A_114  : i32 {
        %lt3A = arith.constant 2 : i32
        %lt3A_129 = arith.cmpi slt, %scan3A_128, %lt3A : i32
        %lt3A_130 = arith.constant 4 : i32
        %lt3A_131 = arith.cmpi slt, %scan3A_128, %lt3A_130 : i32
        %jit3A = arith.constant 16 : i32
        %jit3A_132 = arith.constant 24 : i32
        %select_n3A = arith.select %lt3A_131, %jit3A, %jit3A_132 : i32
        %jit3A_133 = arith.constant 0 : i32
        %select_n3A_134 = arith.select %lt3A_129, %jit3A_133, %select_n3A : i32
        %mul3A_135 = arith.constant 10 : i32
        %mul3A_136 = arith.muli %scan3A_128, %mul3A_135 : i32
        %add3A_137 = arith.constant 0 : i32
        %add3A_138 = arith.addi %mul3A_136, %add3A_137 : i32
        %mul3A_139 = arith.constant 16 : i32
        %mul3A_140 = arith.muli %scan3A_105, %mul3A_139 : i32
        %get3A = arith.index_cast %add3A_138 : i32 to index
        %get3A_141 = arith.index_cast %mul3A_140 : i32 to index
        %get3A_142 = tpu.vector_load %arg4[%get3A, %get3A_141] {strides = array<i32>} : memref<64x512xi32, #tpu.memory_space<vmem>>, vector<16xi32>,
        %mul3A_143 = arith.constant 10 : i32
        %mul3A_144 = arith.muli %scan3A_128, %mul3A_143 : i32
        %add3A_145 = arith.constant 1 : i32
        %add3A_146 = arith.addi %mul3A_144, %add3A_145 : i32
        %mul3A_147 = arith.constant 16 : i32
        %mul3A_148 = arith.muli %scan3A_105, %mul3A_147 : i32
        %get3A_149 = arith.index_cast %add3A_146 : i32 to index
        %get3A_150 = arith.index_cast %mul3A_148 : i32 to index
        %get3A_151 = tpu.vector_load %arg4[%get3A_149, %get3A_150] {strides = array<i32>} : memref<64x512xi32, #tpu.memory_space<vmem>>, vector<16xi32>,
        %mul3A_152 = arith.constant 10 : i32
        %mul3A_153 = arith.muli %scan3A_128, %mul3A_152 : i32
        %add3A_154 = arith.constant 2 : i32
        %add3A_155 = arith.addi %mul3A_153, %add3A_154 : i32
        %mul3A_156 = arith.constant 16 : i32
        %mul3A_157 = arith.muli %scan3A_105, %mul3A_156 : i32
        %get3A_158 = arith.index_cast %add3A_155 : i32 to index
        %get3A_159 = arith.index_cast %mul3A_157 : i32 to index
        %get3A_160 = tpu.vector_load %arg4[%get3A_158, %get3A_159] {strides = array<i32>} : memref<64x512xi32, #tpu.memory_space<vmem>>, vector<16xi32>,
        %mul3A_161 = arith.constant 10 : i32
        %mul3A_162 = arith.muli %scan3A_128, %mul3A_161 : i32
        %add3A_163 = arith.constant 3 : i32
        %add3A_164 = arith.addi %mul3A_162, %add3A_163 : i32
        %mul3A_165 = arith.constant 16 : i32
        %mul3A_166 = arith.muli %scan3A_105, %mul3A_165 : i32
        %get3A_167 = arith.index_cast %add3A_164 : i32 to index
        %get3A_168 = arith.index_cast %mul3A_166 : i32 to index
        %get3A_169 = tpu.vector_load %arg4[%get3A_167, %get3A_168] {strides = array<i32>} : memref<64x512xi32, #tpu.memory_space<vmem>>, vector<16xi32>,
        %mul3A_170 = arith.constant 10 : i32
        %mul3A_171 = arith.muli %scan3A_128, %mul3A_170 : i32
        %add3A_172 = arith.constant 4 : i32
        %add3A_173 = arith.addi %mul3A_171, %add3A_172 : i32
        %mul3A_174 = arith.constant 16 : i32
        %mul3A_175 = arith.muli %scan3A_105, %mul3A_174 : i32
        %get3A_176 = arith.index_cast %add3A_173 : i32 to index
        %get3A_177 = arith.index_cast %mul3A_175 : i32 to index
        %get3A_178 = tpu.vector_load %arg4[%get3A_176, %get3A_177] {strides = array<i32>} : memref<64x512xi32, #tpu.memory_space<vmem>>, vector<16xi32>,
        %mul3A_179 = arith.constant 10 : i32
        %mul3A_180 = arith.muli %scan3A_128, %mul3A_179 : i32
        %add3A_181 = arith.constant 5 : i32
        %add3A_182 = arith.addi %mul3A_180, %add3A_181 : i32
        %mul3A_183 = arith.constant 16 : i32
        %mul3A_184 = arith.muli %scan3A_105, %mul3A_183 : i32
        %get3A_185 = arith.index_cast %add3A_182 : i32 to index
        %get3A_186 = arith.index_cast %mul3A_184 : i32 to index
        %get3A_187 = tpu.vector_load %arg4[%get3A_185, %get3A_186] {strides = array<i32>} : memref<64x512xi32, #tpu.memory_space<vmem>>, vector<16xi32>,
        %mul3A_188 = arith.constant 10 : i32
        %mul3A_189 = arith.muli %scan3A_128, %mul3A_188 : i32
        %add3A_190 = arith.constant 6 : i32
        %add3A_191 = arith.addi %mul3A_189, %add3A_190 : i32
        %mul3A_192 = arith.constant 16 : i32
        %mul3A_193 = arith.muli %scan3A_105, %mul3A_192 : i32
        %get3A_194 = arith.index_cast %add3A_191 : i32 to index
        %get3A_195 = arith.index_cast %mul3A_193 : i32 to index
        %get3A_196 = tpu.vector_load %arg4[%get3A_194, %get3A_195] {strides = array<i32>} : memref<64x512xi32, #tpu.memory_space<vmem>>, vector<16xi32>,
        %mul3A_197 = arith.constant 10 : i32
        %mul3A_198 = arith.muli %scan3A_128, %mul3A_197 : i32
        %add3A_199 = arith.constant 7 : i32
        %add3A_200 = arith.addi %mul3A_198, %add3A_199 : i32
        %mul3A_201 = arith.constant 16 : i32
        %mul3A_202 = arith.muli %scan3A_105, %mul3A_201 : i32
        %get3A_203 = arith.index_cast %add3A_200 : i32 to index
        %get3A_204 = arith.index_cast %mul3A_202 : i32 to index
        %get3A_205 = tpu.vector_load %arg4[%get3A_203, %get3A_204] {strides = array<i32>} : memref<64x512xi32, #tpu.memory_space<vmem>>, vector<16xi32>,
        %mul3A_206 = arith.constant 10 : i32
        %mul3A_207 = arith.muli %scan3A_128, %mul3A_206 : i32
        %add3A_208 = arith.constant 8 : i32
        %add3A_209 = arith.addi %mul3A_207, %add3A_208 : i32
        %mul3A_210 = arith.constant 16 : i32
        %mul3A_211 = arith.muli %scan3A_105, %mul3A_210 : i32
        %get3A_212 = arith.index_cast %add3A_209 : i32 to index
        %get3A_213 = arith.index_cast %mul3A_211 : i32 to index
        %get3A_214 = tpu.vector_load %arg4[%get3A_212, %get3A_213] {strides = array<i32>} : memref<64x512xi32, #tpu.memory_space<vmem>>, vector<16xi32>,
        %mul3A_215 = arith.constant 10 : i32
        %mul3A_216 = arith.muli %scan3A_128, %mul3A_215 : i32
        %add3A_217 = arith.constant 9 : i32
        %add3A_218 = arith.addi %mul3A_216, %add3A_217 : i32
        %mul3A_219 = arith.constant 16 : i32
        %mul3A_220 = arith.muli %scan3A_105, %mul3A_219 : i32
        %get3A_221 = arith.index_cast %add3A_218 : i32 to index
        %get3A_222 = arith.index_cast %mul3A_220 : i32 to index
        %get3A_223 = tpu.vector_load %arg4[%get3A_221, %get3A_222] {strides = array<i32>} : memref<64x512xi32, #tpu.memory_space<vmem>>, vector<16xi32>,
        %ge3A = vector.broadcast %select_n3A_134 : i32 to vector<16xi32>
        %ge3A_224 = arith.cmpi sge, %get3A_142, %ge3A : vector<16xi32>
        %ge3A_225 = vector.broadcast %select_n3A_134 : i32 to vector<16xi32>
        %ge3A_226 = arith.cmpi sge, %get3A_151, %ge3A_225 : vector<16xi32>
        %ge3A_227 = vector.broadcast %select_n3A_134 : i32 to vector<16xi32>
        %ge3A_228 = arith.cmpi sge, %get3A_160, %ge3A_227 : vector<16xi32>
        %ge3A_229 = vector.broadcast %select_n3A_134 : i32 to vector<16xi32>
        %ge3A_230 = arith.cmpi sge, %get3A_169, %ge3A_229 : vector<16xi32>
        %ge3A_231 = vector.broadcast %select_n3A_134 : i32 to vector<16xi32>
        %ge3A_232 = arith.cmpi sge, %get3A_178, %ge3A_231 : vector<16xi32>
        %ge3A_233 = vector.broadcast %select_n3A_134 : i32 to vector<16xi32>
        %ge3A_234 = arith.cmpi sge, %get3A_187, %ge3A_233 : vector<16xi32>
        %ge3A_235 = vector.broadcast %select_n3A_134 : i32 to vector<16xi32>
        %ge3A_236 = arith.cmpi sge, %get3A_196, %ge3A_235 : vector<16xi32>
        %ge3A_237 = vector.broadcast %select_n3A_134 : i32 to vector<16xi32>
        %ge3A_238 = arith.cmpi sge, %get3A_205, %ge3A_237 : vector<16xi32>
        %ge3A_239 = vector.broadcast %select_n3A_134 : i32 to vector<16xi32>
        %ge3A_240 = arith.cmpi sge, %get3A_214, %ge3A_239 : vector<16xi32>
        %ge3A_241 = vector.broadcast %select_n3A_134 : i32 to vector<16xi32>
        %ge3A_242 = arith.cmpi sge, %get3A_223, %ge3A_241 : vector<16xi32>
        tpu.vector_store_idx %arg5[%get3A_142, %add3A_109], %broadcast_in_dim3A_40 masked %ge3A_224 {add = true} : memref<80x512xf32, #tpu.memory_space<vmem>>[vector<16xi32>, vector<16xi32>], vector<16xf32>, vector<16xi1>
        tpu.vector_store_idx %arg5[%get3A_151, %add3A_109], %broadcast_in_dim3A_40 masked %ge3A_226 {add = true} : memref<80x512xf32, #tpu.memory_space<vmem>>[vector<16xi32>, vector<16xi32>], vector<16xf32>, vector<16xi1>
        tpu.vector_store_idx %arg5[%get3A_160, %add3A_109], %broadcast_in_dim3A_40 masked %ge3A_228 {add = true} : memref<80x512xf32, #tpu.memory_space<vmem>>[vector<16xi32>, vector<16xi32>], vector<16xf32>, vector<16xi1>
        tpu.vector_store_idx %arg5[%get3A_169, %add3A_109], %broadcast_in_dim3A_40 masked %ge3A_230 {add = true} : memref<80x512xf32, #tpu.memory_space<vmem>>[vector<16xi32>, vector<16xi32>], vector<16xf32>, vector<16xi1>
        tpu.vector_store_idx %arg5[%get3A_178, %add3A_109], %broadcast_in_dim3A_40 masked %ge3A_232 {add = true} : memref<80x512xf32, #tpu.memory_space<vmem>>[vector<16xi32>, vector<16xi32>], vector<16xf32>, vector<16xi1>
        tpu.vector_store_idx %arg5[%get3A_187, %add3A_109], %broadcast_in_dim3A_40 masked %ge3A_234 {add = true} : memref<80x512xf32, #tpu.memory_space<vmem>>[vector<16xi32>, vector<16xi32>], vector<16xf32>, vector<16xi1>
        tpu.vector_store_idx %arg5[%get3A_196, %add3A_109], %broadcast_in_dim3A_40 masked %ge3A_236 {add = true} : memref<80x512xf32, #tpu.memory_space<vmem>>[vector<16xi32>, vector<16xi32>], vector<16xf32>, vector<16xi1>
        tpu.vector_store_idx %arg5[%get3A_205, %add3A_109], %broadcast_in_dim3A_40 masked %ge3A_238 {add = true} : memref<80x512xf32, #tpu.memory_space<vmem>>[vector<16xi32>, vector<16xi32>], vector<16xf32>, vector<16xi1>
        tpu.vector_store_idx %arg5[%get3A_214, %add3A_109], %broadcast_in_dim3A_40 masked %ge3A_240 {add = true} : memref<80x512xf32, #tpu.memory_space<vmem>>[vector<16xi32>, vector<16xi32>], vector<16xf32>, vector<16xi1>
        tpu.vector_store_idx %arg5[%get3A_223, %add3A_109], %broadcast_in_dim3A_40 masked %ge3A_242 {add = true} : memref<80x512xf32, #tpu.memory_space<vmem>>[vector<16xi32>, vector<16xi32>], vector<16xf32>, vector<16xi1>
      }
      %scan3A_115 = arith.constant 6 : i32
      %eq3A = arith.constant 7 : i32
      %eq3A_116 = arith.cmpi eq, %scan3A_105, %eq3A : i32
      %convert_element_type3A = arith.extui %eq3A_116 : i1 to i32
      %cond3A = arith.constant 0 : i32
      %cond3A_117 = arith.cmpi ne, %convert_element_type3A, %cond3A : i32
      scf.if %cond3A_117 {
        %dma_wait3A_128 = arith.constant 0 : i32
        %dma_wait3A_129 = arith.constant 256 : i32
        %dma_wait3A_130 = tpu.memref_slice %arg4[%dma_wait3A_128, %dma_wait3A_129] : memref<64x512xi32, #tpu.memory_space<vmem>> -> memref<64x256xi32, #tpu.memory_space<vmem>>
        %dma_wait3A_131 = arith.constant 0 : i32
        %dma_wait3A_132 = tpu.memref_slice %arg2[%dma_wait3A_131, %add3A_4] : memref<64x16384xi32, #tpu.memory_space<hbm>> -> memref<64x256xi32, #tpu.memory_space<hbm>>
        %dma_wait3A_133 = arith.constant 0 : i32
        %dma_wait3A_134 = arith.constant 256 : i32
        %dma_wait3A_135 = tpu.memref_slice %arg4[%dma_wait3A_133, %dma_wait3A_134] : memref<64x512xi32, #tpu.memory_space<vmem>> -> memref<64x256xi32, #tpu.memory_space<vmem>>
        %dma_wait3A_136 = arith.constant 0 : i32
        %dma_wait3A_137 = tpu.memref_slice %arg2[%dma_wait3A_136, %add3A_4] : memref<64x16384xi32, #tpu.memory_space<hbm>> -> memref<64x256xi32, #tpu.memory_space<hbm>>
        tpu.wait_dma2 semaphore(%arg6 : memref<!tpu.dma_semaphore, #tpu.memory_space<semaphore_mem>>) src(%dma_wait3A_137 : memref<64x256xi32, #tpu.memory_space<hbm>>) dst(%dma_wait3A_135 : memref<64x256xi32, #tpu.memory_space<vmem>>)
        %dma_start3A_138 = arith.constant 0 : i32
        %dma_start3A_139 = arith.constant 0 : i32
        %dma_start3A_140 = tpu.memref_slice %arg5[%dma_start3A_138, %dma_start3A_139] : memref<80x512xf32, #tpu.memory_space<vmem>> -> memref<80x128xf32, #tpu.memory_space<vmem>>
        %dma_start3A_141 = arith.constant 0 : i32
        %dma_start3A_142 = tpu.memref_slice %arg3[%dma_start3A_141, %add3A_42] : memref<80x16384xf32, #tpu.memory_space<hbm>> -> memref<80x128xf32, #tpu.memory_space<hbm>>
        %dma_start3A_143 = arith.constant 0 : i32
        %dma_start3A_144 = tpu.memref_slice %arg3[%dma_start3A_143, %add3A_42] : memref<80x16384xf32, #tpu.memory_space<hbm>> -> memref<80x128xf32, #tpu.memory_space<hbm>>
        %dma_start3A_145 = arith.constant 0 : i32
        %dma_start3A_146 = arith.constant 0 : i32
        %dma_start3A_147 = tpu.memref_slice %arg5[%dma_start3A_145, %dma_start3A_146] : memref<80x512xf32, #tpu.memory_space<vmem>> -> memref<80x128xf32, #tpu.memory_space<vmem>>
        tpu.enqueue_dma source(%dma_start3A_147 : memref<80x128xf32, #tpu.memory_space<vmem>>) target(%dma_start3A_144 : memref<80x128xf32, #tpu.memory_space<hbm>>) target_semaphore(%arg7 : memref<!tpu.dma_semaphore, #tpu.memory_space<semaphore_mem>>)
      } else {
      }
      %eq3A_118 = arith.constant 15 : i32
      %eq3A_119 = arith.cmpi eq, %scan3A_105, %eq3A_118 : i32
      %convert_element_type3A_120 = arith.extui %eq3A_119 : i1 to i32
      %cond3A_121 = arith.constant 0 : i32
      %cond3A_122 = arith.cmpi ne, %convert_element_type3A_120, %cond3A_121 : i32
      scf.if %cond3A_122 {
        %dma_start3A_128 = arith.constant 0 : i32
        %dma_start3A_129 = arith.constant 128 : i32
        %dma_start3A_130 = tpu.memref_slice %arg5[%dma_start3A_128, %dma_start3A_129] : memref<80x512xf32, #tpu.memory_space<vmem>> -> memref<80x128xf32, #tpu.memory_space<vmem>>
        %dma_start3A_131 = arith.constant 0 : i32
        %dma_start3A_132 = tpu.memref_slice %arg3[%dma_start3A_131, %add3A_44] : memref<80x16384xf32, #tpu.memory_space<hbm>> -> memref<80x128xf32, #tpu.memory_space<hbm>>
        %dma_start3A_133 = arith.constant 0 : i32
        %dma_start3A_134 = tpu.memref_slice %arg3[%dma_start3A_133, %add3A_44] : memref<80x16384xf32, #tpu.memory_space<hbm>> -> memref<80x128xf32, #tpu.memory_space<hbm>>
        %dma_start3A_135 = arith.constant 0 : i32
        %dma_start3A_136 = arith.constant 128 : i32
        %dma_start3A_137 = tpu.memref_slice %arg5[%dma_start3A_135, %dma_start3A_136] : memref<80x512xf32, #tpu.memory_space<vmem>> -> memref<80x128xf32, #tpu.memory_space<vmem>>
        tpu.enqueue_dma source(%dma_start3A_137 : memref<80x128xf32, #tpu.memory_space<vmem>>) target(%dma_start3A_134 : memref<80x128xf32, #tpu.memory_space<hbm>>) target_semaphore(%arg8 : memref<!tpu.dma_semaphore, #tpu.memory_space<semaphore_mem>>)
      } else {
      }
      %eq3A_123 = arith.constant 23 : i32
      %eq3A_124 = arith.cmpi eq, %scan3A_105, %eq3A_123 : i32
      %convert_element_type3A_125 = arith.extui %eq3A_124 : i1 to i32
      %cond3A_126 = arith.constant 0 : i32
      %cond3A_127 = arith.cmpi ne, %convert_element_type3A_125, %cond3A_126 : i32
      scf.if %cond3A_127 {
        %dma_start3A_128 = arith.constant 0 : i32
        %dma_start3A_129 = arith.constant 256 : i32
        %dma_start3A_130 = tpu.memref_slice %arg5[%dma_start3A_128, %dma_start3A_129] : memref<80x512xf32, #tpu.memory_space<vmem>> -> memref<80x128xf32, #tpu.memory_space<vmem>>
        %dma_start3A_131 = arith.constant 0 : i32
        %dma_start3A_132 = tpu.memref_slice %arg3[%dma_start3A_131, %add3A_46] : memref<80x16384xf32, #tpu.memory_space<hbm>> -> memref<80x128xf32, #tpu.memory_space<hbm>>
        %dma_start3A_133 = arith.constant 0 : i32
        %dma_start3A_134 = tpu.memref_slice %arg3[%dma_start3A_133, %add3A_46] : memref<80x16384xf32, #tpu.memory_space<hbm>> -> memref<80x128xf32, #tpu.memory_space<hbm>>
        %dma_start3A_135 = arith.constant 0 : i32
        %dma_start3A_136 = arith.constant 256 : i32
        %dma_start3A_137 = tpu.memref_slice %arg5[%dma_start3A_135, %dma_start3A_136] : memref<80x512xf32, #tpu.memory_space<vmem>> -> memref<80x128xf32, #tpu.memory_space<vmem>>
        tpu.enqueue_dma source(%dma_start3A_137 : memref<80x128xf32, #tpu.memory_space<vmem>>) target(%dma_start3A_134 : memref<80x128xf32, #tpu.memory_space<hbm>>) target_semaphore(%arg7 : memref<!tpu.dma_semaphore, #tpu.memory_space<semaphore_mem>>)
      } else {
      }
    }
    %scan3A_54 = arith.constant 32 : i32
    %dma_start3A_55 = arith.constant 0 : i32
    %dma_start3A_56 = arith.constant 384 : i32
    %dma_start3A_57 = tpu.memref_slice %arg5[%dma_start3A_55, %dma_start3A_56] : memref<80x512xf32, #tpu.memory_space<vmem>> -> memref<80x128xf32, #tpu.memory_space<vmem>>
    %dma_start3A_58 = arith.constant 0 : i32
    %dma_start3A_59 = tpu.memref_slice %arg3[%dma_start3A_58, %add3A_48] : memref<80x16384xf32, #tpu.memory_space<hbm>> -> memref<80x128xf32, #tpu.memory_space<hbm>>
    %dma_start3A_60 = arith.constant 0 : i32
    %dma_start3A_61 = tpu.memref_slice %arg3[%dma_start3A_60, %add3A_48] : memref<80x16384xf32, #tpu.memory_space<hbm>> -> memref<80x128xf32, #tpu.memory_space<hbm>>
    %dma_start3A_62 = arith.constant 0 : i32
    %dma_start3A_63 = arith.constant 384 : i32
    %dma_start3A_64 = tpu.memref_slice %arg5[%dma_start3A_62, %dma_start3A_63] : memref<80x512xf32, #tpu.memory_space<vmem>> -> memref<80x128xf32, #tpu.memory_space<vmem>>
    tpu.enqueue_dma source(%dma_start3A_64 : memref<80x128xf32, #tpu.memory_space<vmem>>) target(%dma_start3A_61 : memref<80x128xf32, #tpu.memory_space<hbm>>) target_semaphore(%arg8 : memref<!tpu.dma_semaphore, #tpu.memory_space<semaphore_mem>>)
    %dma_wait3A_65 = arith.constant 0 : i32
    %dma_wait3A_66 = arith.constant 0 : i32
    %dma_wait3A_67 = tpu.memref_slice %arg5[%dma_wait3A_65, %dma_wait3A_66] : memref<80x512xf32, #tpu.memory_space<vmem>> -> memref<80x128xf32, #tpu.memory_space<vmem>>
    %dma_wait3A_68 = arith.constant 0 : i32
    %dma_wait3A_69 = tpu.memref_slice %arg3[%dma_wait3A_68, %add3A_42] : memref<80x16384xf32, #tpu.memory_space<hbm>> -> memref<80x128xf32, #tpu.memory_space<hbm>>
    %dma_wait3A_70 = arith.constant 0 : i32
    %dma_wait3A_71 = tpu.memref_slice %arg3[%dma_wait3A_70, %add3A_42] : memref<80x16384xf32, #tpu.memory_space<hbm>> -> memref<80x128xf32, #tpu.memory_space<hbm>>
    %dma_wait3A_72 = arith.constant 0 : i32
    %dma_wait3A_73 = arith.constant 0 : i32
    %dma_wait3A_74 = tpu.memref_slice %arg5[%dma_wait3A_72, %dma_wait3A_73] : memref<80x512xf32, #tpu.memory_space<vmem>> -> memref<80x128xf32, #tpu.memory_space<vmem>>
    tpu.wait_dma2 semaphore(%arg7 : memref<!tpu.dma_semaphore, #tpu.memory_space<semaphore_mem>>) src(%dma_wait3A_74 : memref<80x128xf32, #tpu.memory_space<vmem>>) dst(%dma_wait3A_71 : memref<80x128xf32, #tpu.memory_space<hbm>>)
    %dma_wait3A_75 = arith.constant 0 : i32
    %dma_wait3A_76 = arith.constant 128 : i32
    %dma_wait3A_77 = tpu.memref_slice %arg5[%dma_wait3A_75, %dma_wait3A_76] : memref<80x512xf32, #tpu.memory_space<vmem>> -> memref<80x128xf32, #tpu.memory_space<vmem>>
    %dma_wait3A_78 = arith.constant 0 : i32
    %dma_wait3A_79 = tpu.memref_slice %arg3[%dma_wait3A_78, %add3A_44] : memref<80x16384xf32, #tpu.memory_space<hbm>> -> memref<80x128xf32, #tpu.memory_space<hbm>>
    %dma_wait3A_80 = arith.constant 0 : i32
    %dma_wait3A_81 = tpu.memref_slice %arg3[%dma_wait3A_80, %add3A_44] : memref<80x16384xf32, #tpu.memory_space<hbm>> -> memref<80x128xf32, #tpu.memory_space<hbm>>
    %dma_wait3A_82 = arith.constant 0 : i32
    %dma_wait3A_83 = arith.constant 128 : i32
    %dma_wait3A_84 = tpu.memref_slice %arg5[%dma_wait3A_82, %dma_wait3A_83] : memref<80x512xf32, #tpu.memory_space<vmem>> -> memref<80x128xf32, #tpu.memory_space<vmem>>
    tpu.wait_dma2 semaphore(%arg8 : memref<!tpu.dma_semaphore, #tpu.memory_space<semaphore_mem>>) src(%dma_wait3A_84 : memref<80x128xf32, #tpu.memory_space<vmem>>) dst(%dma_wait3A_81 : memref<80x128xf32, #tpu.memory_space<hbm>>)
    %dma_wait3A_85 = arith.constant 0 : i32
    %dma_wait3A_86 = arith.constant 256 : i32
    %dma_wait3A_87 = tpu.memref_slice %arg5[%dma_wait3A_85, %dma_wait3A_86] : memref<80x512xf32, #tpu.memory_space<vmem>> -> memref<80x128xf32, #tpu.memory_space<vmem>>
    %dma_wait3A_88 = arith.constant 0 : i32
    %dma_wait3A_89 = tpu.memref_slice %arg3[%dma_wait3A_88, %add3A_46] : memref<80x16384xf32, #tpu.memory_space<hbm>> -> memref<80x128xf32, #tpu.memory_space<hbm>>
    %dma_wait3A_90 = arith.constant 0 : i32
    %dma_wait3A_91 = tpu.memref_slice %arg3[%dma_wait3A_90, %add3A_46] : memref<80x16384xf32, #tpu.memory_space<hbm>> -> memref<80x128xf32, #tpu.memory_space<hbm>>
    %dma_wait3A_92 = arith.constant 0 : i32
    %dma_wait3A_93 = arith.constant 256 : i32
    %dma_wait3A_94 = tpu.memref_slice %arg5[%dma_wait3A_92, %dma_wait3A_93] : memref<80x512xf32, #tpu.memory_space<vmem>> -> memref<80x128xf32, #tpu.memory_space<vmem>>
    tpu.wait_dma2 semaphore(%arg7 : memref<!tpu.dma_semaphore, #tpu.memory_space<semaphore_mem>>) src(%dma_wait3A_94 : memref<80x128xf32, #tpu.memory_space<vmem>>) dst(%dma_wait3A_91 : memref<80x128xf32, #tpu.memory_space<hbm>>)
    %dma_wait3A_95 = arith.constant 0 : i32
    %dma_wait3A_96 = arith.constant 384 : i32
    %dma_wait3A_97 = tpu.memref_slice %arg5[%dma_wait3A_95, %dma_wait3A_96] : memref<80x512xf32, #tpu.memory_space<vmem>> -> memref<80x128xf32, #tpu.memory_space<vmem>>
    %dma_wait3A_98 = arith.constant 0 : i32
    %dma_wait3A_99 = tpu.memref_slice %arg3[%dma_wait3A_98, %add3A_48] : memref<80x16384xf32, #tpu.memory_space<hbm>> -> memref<80x128xf32, #tpu.memory_space<hbm>>
    %dma_wait3A_100 = arith.constant 0 : i32
    %dma_wait3A_101 = tpu.memref_slice %arg3[%dma_wait3A_100, %add3A_48] : memref<80x16384xf32, #tpu.memory_space<hbm>> -> memref<80x128xf32, #tpu.memory_space<hbm>>
    %dma_wait3A_102 = arith.constant 0 : i32
    %dma_wait3A_103 = arith.constant 384 : i32
    %dma_wait3A_104 = tpu.memref_slice %arg5[%dma_wait3A_102, %dma_wait3A_103] : memref<80x512xf32, #tpu.memory_space<vmem>> -> memref<80x128xf32, #tpu.memory_space<vmem>>
    tpu.wait_dma2 semaphore(%arg8 : memref<!tpu.dma_semaphore, #tpu.memory_space<semaphore_mem>>) src(%dma_wait3A_104 : memref<80x128xf32, #tpu.memory_space<vmem>>) dst(%dma_wait3A_101 : memref<80x128xf32, #tpu.memory_space<hbm>>)
    return
  }
}

module attributes {stable_mosaic.version = 14 : i64} {
  func.func @_matmul_body(%arg0: i32, %arg1: memref<80x8192xf32, #tpu.memory_space<vmem>>, %arg2: memref<13x128xf32, #tpu.memory_space<vmem>>, %arg3: memref<4x128xf32, #tpu.memory_space<vmem>>, %arg4: memref<52x128xf32, #tpu.memory_space<vmem>>, %arg5: memref<8192x128xf32, #tpu.memory_space<vmem>>, %arg6: memref<80x128xf32, #tpu.memory_space<vmem>>) attributes {dimension_semantics = [#tpu.dimension_semantics<arbitrary>], iteration_bounds = array<i64: 2>, scalar_prefetch = 0 : i64, scratch_operands = 1 : i64, tpu.core_type = #tpu.core_type<tc>, window_params = [{transform_indices = @transform_0, window_bounds = array<i64: 80, 8192>}, {pipeline_mode = #tpu.pipeline_mode<synchronous>, transform_indices = @transform_1, window_bounds = array<i64: 13, 128>}, {pipeline_mode = #tpu.pipeline_mode<synchronous>, transform_indices = @transform_2, window_bounds = array<i64: 4, 128>}, {pipeline_mode = #tpu.pipeline_mode<synchronous>, transform_indices = @transform_3, window_bounds = array<i64: 52, 128>}, {transform_indices = @transform_4, window_bounds = array<i64: 8192, 128>}]} {
    %eq3A = arith.constant 0 : i32
    %eq3A_0 = arith.cmpi eq, %arg0, %eq3A : i32
    %convert_element_type3A = arith.extui %eq3A_0 : i1 to i32
    %cond3A = arith.constant 0 : i32
    %cond3A_1 = arith.cmpi ne, %convert_element_type3A, %cond3A : i32
    scf.if %cond3A_1 {
      %broadcast_in_dim3A = arith.constant 0.000000e+00 : f32
      %broadcast_in_dim3A_10 = vector.broadcast %broadcast_in_dim3A : f32 to vector<80x128xf32>
      %swap3A_11 = arith.constant 0 : index
      %swap3A_12 = arith.constant 0 : index
      %swap3A_13 = vector.load %arg6[%swap3A_11, %swap3A_12] : memref<80x128xf32, #tpu.memory_space<vmem>>, vector<80x128xf32>
      tpu.vector_store %arg6[%swap3A_11, %swap3A_12], %broadcast_in_dim3A_10 {strides = array<i32>} : memref<80x128xf32, #tpu.memory_space<vmem>>, vector<80x128xf32>,
      %get3A_14 = arith.constant 0 : index
      %get3A_15 = arith.constant 0 : index
      %get3A_16 = vector.load %arg2[%get3A_14, %get3A_15] : memref<13x128xf32, #tpu.memory_space<vmem>>, vector<13x128xf32>
      %swap3A_17 = arith.constant 0 : index
      %swap3A_18 = arith.constant 0 : index
      %swap3A_19 = vector.load %arg6[%swap3A_17, %swap3A_18] : memref<80x128xf32, #tpu.memory_space<vmem>>, vector<13x128xf32>
      tpu.vector_store %arg6[%swap3A_17, %swap3A_18], %get3A_16 {strides = array<i32>} : memref<80x128xf32, #tpu.memory_space<vmem>>, vector<13x128xf32>,
      %get3A_20 = arith.constant 0 : index
      %get3A_21 = arith.constant 0 : index
      %get3A_22 = vector.load %arg3[%get3A_20, %get3A_21] : memref<4x128xf32, #tpu.memory_space<vmem>>, vector<4x128xf32>
      %swap3A_23 = arith.constant 16 : index
      %swap3A_24 = arith.constant 0 : index
      %swap3A_25 = vector.load %arg6[%swap3A_23, %swap3A_24] : memref<80x128xf32, #tpu.memory_space<vmem>>, vector<4x128xf32>
      tpu.vector_store %arg6[%swap3A_23, %swap3A_24], %get3A_22 {strides = array<i32>} : memref<80x128xf32, #tpu.memory_space<vmem>>, vector<4x128xf32>,
      %get3A_26 = arith.constant 0 : index
      %get3A_27 = arith.constant 0 : index
      %get3A_28 = vector.load %arg4[%get3A_26, %get3A_27] : memref<52x128xf32, #tpu.memory_space<vmem>>, vector<52x128xf32>
      %swap3A_29 = arith.constant 24 : index
      %swap3A_30 = arith.constant 0 : index
      %swap3A_31 = vector.load %arg6[%swap3A_29, %swap3A_30] : memref<80x128xf32, #tpu.memory_space<vmem>>, vector<52x128xf32>
      tpu.vector_store %arg6[%swap3A_29, %swap3A_30], %get3A_28 {strides = array<i32>} : memref<80x128xf32, #tpu.memory_space<vmem>>, vector<52x128xf32>,
    } else {
    }
    %get3A = arith.constant 0 : index
    %get3A_2 = arith.constant 0 : index
    %get3A_3 = vector.load %arg1[%get3A, %get3A_2] : memref<80x8192xf32, #tpu.memory_space<vmem>>, vector<80x8192xf32>
    %get3A_4 = arith.constant 0 : index
    %get3A_5 = arith.constant 0 : index
    %get3A_6 = vector.load %arg6[%get3A_4, %get3A_5] : memref<80x128xf32, #tpu.memory_space<vmem>>, vector<80x128xf32>
    %dot_general3A = arith.constant dense<0.000000e+00> : vector<8192x128xf32>
    %dot_general3A_7 = tpu.matmul %get3A_3, %get3A_6, %dot_general3A {dimension_numbers = #tpu.dot_dimension_numbers<[0], [0], [1], [1], [0, 1, 1, 1], [], []>, transpose_lhs_hint = false} : vector<80x8192xf32>, vector<80x128xf32>, vector<8192x128xf32> -> vector<8192x128xf32>
    %swap3A = arith.constant 0 : index
    %swap3A_8 = arith.constant 0 : index
    %swap3A_9 = vector.load %arg5[%swap3A, %swap3A_8] : memref<8192x128xf32, #tpu.memory_space<vmem>>, vector<8192x128xf32>
    tpu.vector_store %arg5[%swap3A, %swap3A_8], %dot_general3A_7 {strides = array<i32>} : memref<8192x128xf32, #tpu.memory_space<vmem>>, vector<8192x128xf32>,
    return
  }
  func.func @transform_0(%arg0: i32) -> (i32, i32) {
    %c0_i32 = arith.constant 0 : i32
    %c0_i32_0 = arith.constant 0 : i32
    return %c0_i32, %arg0 : i32, i32
  }
  func.func @transform_1(%arg0: i32) -> (i32, i32) {
    %c0_i32 = arith.constant 0 : i32
    %c0_i32_0 = arith.constant 0 : i32
    %c0_i32_1 = arith.constant 0 : i32
    return %c0_i32, %c0_i32_0 : i32, i32
  }
  func.func @transform_2(%arg0: i32) -> (i32, i32) {
    %c0_i32 = arith.constant 0 : i32
    %c0_i32_0 = arith.constant 0 : i32
    %c0_i32_1 = arith.constant 0 : i32
    return %c0_i32, %c0_i32_0 : i32, i32
  }
  func.func @transform_3(%arg0: i32) -> (i32, i32) {
    %c0_i32 = arith.constant 0 : i32
    %c0_i32_0 = arith.constant 0 : i32
    %c0_i32_1 = arith.constant 0 : i32
    return %c0_i32, %c0_i32_0 : i32, i32
  }
  func.func @transform_4(%arg0: i32) -> (i32, i32) {
    %c0_i32 = arith.constant 0 : i32
    %c0_i32_0 = arith.constant 0 : i32
    return %arg0, %c0_i32 : i32, i32
  }
}

</mosaic_0001>

<sc_bundles>
// kernel: kernel.4.cloned.1.call-start
scs
__scs_entry_jumppad:
0x0: {  	(pc) =	sbr.rel $0x88, $3  }
0x1: {  	(tag) =	ssettag $0x0;
	lr =	simm.s32 $0x1  }
0x2: {  	[smem:$0x3F9B] =	sst lr;
	_ =	strace $0xD0000000  }
0x3: {  	_ = 	snop  }
0x4: {  	_ = 	snop  }
0x5: {  	_ = 	snop  }
0x6: {  	_ = 	snop  }
0x7: {  	_ = 	snop  }
__scs_overlays_trampoline_lowered:
0x8: {  	[smem:$0x3FAA] =	sst s0  }
0x9: {  	[smem:$0x3FAB] =	sst s1  }
0xa: {  	[smem:$0x3FAC] =	sst s2  }
0xb: {  	[smem:$0x3FAD] =	sst s3  }
0xc: {  	[smem:$0x3FAE] =	sst s4  }
0xd: {  	[smem:$0x3FAF] =	sst s5  }
0xe: {  	[smem:$0x3FB0] =	sst s6  }
0xf: {  	[smem:$0x3FB1] =	sst s7  }
0x10: {  	[smem:$0x3FB2] =	sst s8  }
0x11: {  	[smem:$0x3FB3] =	sst s9;
	s0 =	simm.s32 @!p0 $0x0  }
0x12: {  	s1 =	sld [smem:$0x3F99];
	s0 =	simm.s32 @p0 $0x1  }
0x13: {  	[smem:$0x3FB4] =	sst s0;
	s0 =	simm.s32 @!p1 $0x0  }
0x14: {  	s2 =	sld [smem:$0x3F98];
	s0 =	simm.s32 @p1 $0x1  }
0x15: {  	[smem:$0x3FB5] =	sst s0;
	s0 =	simm.s32 @!p2 $0x0  }
0x16: {  	s3 =	sld [smem:$0x3FDB];
	s0 =	simm.s32 @p2 $0x1  }
0x17: {  	s4 =	simm.s32 $0x1BF5;
	[smem:$0x3FB7] =	sst s0  }
0x18: {  	s0 =	sld [smem:$0x3F9A];
	_ =	swait.ge [sflag:s4], $0x0  }
0x19: {  	s7 =	sld [smem:$0x3F9B]  }
0x1a: {  	s8 =	sadd.s32 $0xFFFFE003, lr  }
0x1b: {  	s9 =	sadd.s32 $0xFFFFFEF7, lr;
	s5 =	simm.s32 $0xFFFFFFFF;
	p2 =	slt.u32 s8, $0xFFFFF086  }
0x1c: {  	p1 =	slt.u32 s9, $0xF7A;
	s5 =	simm.s32 @!p2 $0x0  }
0x1d: {  	s5 =	simm.s32 @p1 $0x1;
	p0 =	seq.s32 s7, s2  }
0x1e: {  	s7 =	smul.u32 @!p0 $0xF7A, s2;
	p2 =	seq.s32 @!p0 s5, $0x0  }
0x1f: {  	s9 =	smul.u32 $0xF7A, s1;
	s8 =	simm.s32 @!p0 $0x1BF5;
	p2 =	por !p2, p0  }
0x20: {  	[sflag:s8] =	ssyncset.s32 @!p0 $0xFFFFF086;
	s6 =	sadd.s32 @!p0 s3, s7;
	s7 =	simm.s32 @!p0 $0x108  }
0x21: {  	s3 =	sadd.s32 s3, s9;
	s6 =	sadd.s32 @!p0 $0x88, s6;
	s7 =	simm.s32 @p2 $0x1082  }
0x22: {  	[simem:s7], [sflag:s8] =	dma.local @!p0 [hbm:s6], $0xF7A  }
0x23: {  	s9 =	sor.u32 $0xD0000000, s2;
	s6 =	simm.s32 $0x108;
	_ =	swait.ge @!p0 [sflag:s8], $0x0  }
0x24: {  	s3 =	sadd.s32 $0x88, s3;
	s6 =	simm.s32 @!p1 $0x1082;
	[sflag:s4] =	ssyncset.s32 $0xFFFFF086  }
0x25: {  	[simem:s6], [sflag:s4] =	dma.local [hbm:s3], $0xF7A  }
0x26: {  	[smem:$0x3F9B] =	sst s1;
	(tag) =	ssettag s2;
	_ =	strace s9  }
0x27: {  	s1 =	sld [smem:$0x3FAB]  }
0x28: {  	s2 =	sld [smem:$0x3FAC]  }
0x29: {  	s4 =	sld [smem:$0x3FAE]  }
0x2a: {  	p0 =	seq.s32 s5, $0x0;
	s5 =	sld [smem:$0x3FAF]  }
0x2b: {  	s6 =	sld [smem:$0x3FB0]  }
0x2c: {  	s7 =	sld [smem:$0x3FB1]  }
0x2d: {  	s3 =	simm.s32 $0x108;
	s8 =	sld [smem:$0x3FB2]  }
0x2e: {  	s3 =	simm.s32 @!p0 $0x1082;
	s9 =	sld [smem:$0x3FB3]  }
0x2f: {  	lr =	sadd.s32 s0, s3;
	s0 =	sld [smem:$0x3FAA]  }
0x30: {  	s3 =	sld [smem:$0x3FAD]  }
0x31: {  	[smem:$0x3FB6] =	sst s10  }
0x32: {  	s10 =	sld [smem:$0x3FB4];
	_ =	sdelay $0x3  }
0x33: {  	p0 =	seq.s32 s10, $0x1;
	s10 =	sld [smem:$0x3FB6];
	_ =	sdelay $0x3  }
0x34: {  	[smem:$0x3FB6] =	sst s10  }
0x35: {  	s10 =	sld [smem:$0x3FB5];
	_ =	sdelay $0x3  }
0x36: {  	p1 =	seq.s32 s10, $0x1;
	s10 =	sld [smem:$0x3FB6];
	_ =	sdelay $0x3  }
0x37: {  	[smem:$0x3FB6] =	sst s10  }
0x38: {  	s10 =	sld [smem:$0x3FB7]  }
0x39: {  	_ = 	snop;
	(pc) =	sbr.ind lr, $3  }
0x3a: {  	_ = 	snop  }
0x3b: {  	_ = 	snop  }
0x3c: {  	p2 =	seq.s32 s10, $0x1;
	s10 =	sld [smem:$0x3FB6]  }
0x3d: {  	_ =	shalt  }
0x3e: {  	_ =	shalt  }
0x3f: {  	_ =	shalt  }
0x40: {  	_ =	shalt  }
0x41: {  	_ =	shalt  }
0x42: {  	_ =	shalt  }
0x43: {  	_ =	shalt  }
0x44: {  	_ =	shalt  }
0x45: {  	_ =	shalt  }
0x46: {  	_ =	shalt  }
0x47: {  	_ =	shalt  }
0x48: {  	_ =	shalt  }
0x49: {  	_ =	shalt  }
0x4a: {  	_ =	shalt  }
0x4b: {  	_ =	shalt  }
0x4c: {  	_ =	shalt  }
0x4d: {  	_ =	shalt  }
0x4e: {  	_ =	shalt  }
0x4f: {  	_ =	shalt  }
0x50: {  	_ =	shalt  }
0x51: {  	_ =	shalt  }
0x52: {  	_ =	shalt  }
0x53: {  	_ =	shalt  }
0x54: {  	_ =	shalt  }
0x55: {  	_ =	shalt  }
0x56: {  	_ =	shalt  }
0x57: {  	_ =	shalt  }
0x58: {  	_ =	shalt  }
0x59: {  	_ =	shalt  }
0x5a: {  	_ =	shalt  }
0x5b: {  	_ =	shalt  }
0x5c: {  	_ =	shalt  }
0x5d: {  	_ =	shalt  }
0x5e: {  	_ =	shalt  }
0x5f: {  	_ =	shalt  }
0x60: {  	_ =	shalt  }
0x61: {  	_ =	shalt  }
0x62: {  	_ =	shalt  }
0x63: {  	_ =	shalt  }
0x64: {  	_ =	shalt  }
0x65: {  	_ =	shalt  }
0x66: {  	_ =	shalt  }
0x67: {  	_ =	shalt  }
0x68: {  	_ =	shalt  }
0x69: {  	_ =	shalt  }
0x6a: {  	_ =	shalt  }
0x6b: {  	_ =	shalt  }
0x6c: {  	_ =	shalt  }
0x6d: {  	_ =	shalt  }
0x6e: {  	_ =	shalt  }
0x6f: {  	_ =	shalt  }
0x70: {  	_ =	shalt  }
0x71: {  	_ =	shalt  }
0x72: {  	_ =	shalt  }
0x73: {  	_ =	shalt  }
0x74: {  	_ =	shalt  }
0x75: {  	_ =	shalt  }
0x76: {  	_ =	shalt  }
0x77: {  	_ =	shalt  }
0x78: {  	_ =	shalt  }
0x79: {  	_ =	shalt  }
0x7a: {  	_ =	shalt  }
0x7b: {  	_ =	shalt  }
0x7c: {  	_ =	shalt  }
0x7d: {  	_ =	shalt  }
0x7e: {  	_ =	shalt  }
0x7f: {  	_ =	shalt  }
0x80: {  	_ =	shalt  }
0x81: {  	_ =	shalt  }
0x82: {  	_ =	shalt  }
0x83: {  	_ =	shalt  }
0x84: {  	_ =	shalt  }
0x85: {  	_ =	shalt  }
0x86: {  	_ =	shalt  }
0x87: {  	_ =	shalt  }
.Lfunc_end0:
.L_simem_size_0:
called_computation_lowered:
.L_overlay_start_0:
0x88: {  	s2 =	sld [smem:$0x3FD9]  }
0x89: {  	s3 =	sld [smem:$0x3FFE];
	_ =	sdelay $0x1  }
0x8a: {  	s1 =	srdreg.scid  }
0x8b: {  	s0 =	sand.u32 $0x1, s1  }
0x8c: {  	s17 =	sshll.u32 s0, $0xA;
	s2 =	sadd.s32 s3, s2  }
0x8d: {  	s2 =	sadd.s32 s2, s17  }
0x8e: {  	[smem:$0x3FC2] =	sst s2  }
0x8f: {  	_ = 	snop  }
0x90: {  	s2 =	sld [smem:$0x3FD0];
	(tm) =	ssettm $0x1  }
0x91: {  	s18 =	sld [smem:$0x3FFB];
	_ =	sdelay $0x3  }
0x92: {  	_ =	strace s18  }
0x93: {  	s3 =	sld [smem:$0x3FFC];
	_ =	sdelay $0x3  }
0x94: {  	_ =	strace s3  }
0x95: {  	s3 =	sld [smem:$0x3FFD];
	_ =	sdelay $0x3  }
0x96: {  	_ =	strace s3  }
0x97: {  	_ =	strace $0x8FFFFFFF  }
0x98: {  	s19 =	sld [smem:$0x3FDB];
	_ =	sdelay $0x1  }
0x99: {  	s4 =	simm.s32 $_scs_section_size  }
0x9a: {  	s5 =	simm.s32 $_size__tile_overlayer_lowered;
	s6 =	simm.s32 $_tile_overlayer_lowered  }
0x9b: {  	s22 =	simm.s32 $0x1BFF;
	s21 =	sshll.u32 s6, $0x1;
	s3 =	sadd.s32 s4, s19  }
0x9c: {  	s7 =	simm.s32 $0x0;
	s20 =	sshll.u32 s5, $0x1;
	s5 =	sadd.s32 s21, s3  }
0x9d: {  	[timem:s7], [sflag:s22] =	dma.local [hbm:s5], s20  }
0x9e: {  	_ =	swait.ge [sflag:s22], s20  }
0x9f: {  	s4 =	ssub.s32 $0x0, s20;
	[sflag:s22] =	ssyncset.done $0x0  }
0xa0: {  	[sflag:s22] =	ssyncadd.s32 s4;
	_ =	sdelay $0x1  }
0xa1: {  	s23 =	simm.s32 $0x1B8B  }
0xa2: {  	_ =	swait.ge [sflag:s23], $0x1  }
0xa3: {  	[sflag:s23] =	ssyncset.done $0x0  }
0xa4: {  	s25 =	simm.s32 $0x1B8E;
	s24 =	sld [smem:$0x3FFE];
	[sflag:s23] =	ssyncadd.s32 $0xFFFFFFFF  }
0xa5: {  	s26 =	simm.s32 $execute0_lowered;
	[smem:$0x3FD2] =	sst s25  }
0xa6: {  	s5 =	sshll.u32 s26, $0x1;
	_ =	strace $0x80000046;
	[dreg:$0x1] =	wrdreg $0xFFFFFFFF  }
0xa7: {  	s28 =	simm.s32 $_size_execute0_lowered;
	s3 =	sadd.s32 s3, s5;
	[dreg:$0x0] =	wrdreg $0x0  }
0xa8: {  	s5 =	sshll.u32 s28, $0x1;
	[dreg:$0x2] =	wrdreg s3  }
0xa9: {  	[dreg:$0x3] =	wrdreg s5  }
0xaa: {  	[dreg:$0x4] =	wrdreg $0xC0  }
0xab: {  	_ =	task [dreg:s7], $0x5FFFF  }
0xac: {  	[dreg:$0x1] =	wrdreg $0xFFFFFFFF  }
0xad: {  	[dreg:$0x0] =	wrdreg $0x60  }
0xae: {  	[dreg:$0x2] =	wrdreg s24  }
0xaf: {  	[dreg:$0x3] =	wrdreg s2  }
0xb0: {  	[dreg:$0x4] =	wrdreg $0x9  }
0xb1: {  	_ =	task.clear_ibuf [dreg:s7], $0x5FFFF;
	_ =	strace $0x90000046  }
0xb2: {  	s29 =	simm.s32 $0x9;
	_ =	strace $0x80000048  }
0xb3: {  	_ =	swait.ge [sflag:s29], $0x1  }
0xb4: {  	[sflag:s29] =	ssyncadd.s32 $0xFFFFFFFF  }
0xb5: {  	_ =	strace $0x90000048  }
0xb6: {  	_ =	sfence  }
0xb7: {  	s30 =	sld [smem:$0x0];
	_ =	sdelay $0x2  }
0xb8: {  	s31 =	sshll.u32 s1, $0xD;
	s1 =	sshrl.u32 s1, $0x2  }
0xb9: {  	s3 =	sand.u32 $0x4000, s31;
	s1 =	sadd.s32 s1, s30  }
0xba: {  	s0 =	sor.u32 s3, s0;
	s1 =	sshll.u32 s1, $0x11  }
0xbb: {  	s0 =	sor.u32 s1, s0  }
0xbc: {  	s0 =	sadd.s32 $0x8F2B, s0  }
0xbd: {  	[sflag:s0] =	ssyncadd.remote.s32 $0x1  }
0xbe: {  	_ =	sfence.sel $0xFFFF  }
0xbf: {  	[dreg:$0x0] =	wrdreg $0xFFFFFFFF;
	(pc) =	sbr.abs _section_cstart, $3  }
0xc0: {  	[dreg:$0x1] =	wrdreg $0xFFFFFFFF  }
0xc1: {  	_ =	task.clear_ibuf [dreg:s7], $0x2FFFF;
	_ =	strace $0x9FFFFFFF  }
0xc2: {  	(tm) =	ssettm $0x7FFFFFFF  }
0xc3: {  	_ =	shalt  }
tec
execute0_lowered:
.L_overlay_start_1:
0x0: {  	(tag) =	ssettag $0x1  }
0x1: {  	s0 =	rddreg [dreg:$0x0]  }
0x2: {  	s1 =	rddreg [dreg:$0x1];
	s2 =	simm.s32 $0x0  }
0x3: {  	s3 =	srdreg.scid;
	s5 =	stileid.u32;
	s28 =	simm.s32 $0x10  }
0x4: {  	[smem:$0x7FF] =	sst s2;
	s3 =	sand.u32 $0x1, s3;
	s5 =	sshll.u32 s5, $0xA  }
0x5: {  	s0 =	sadd.s32 $0x1000, s0;
	s4 =	ssub.s32 $0x2, s3;
	s3 =	sshll.u32 s3, $0x9  }
0x6: {  	_ =	strace $0x80000047;
	s6 =	sshrl.u32 s4, $0x1;
	s3 =	sor.u32 s3, s5  }
0x7: {  	[dreg:$0x3] =	wrdreg s28;
	s4 =	ssub.s32 s4, s6;
	s9 =	sadd.s32 s0, s3  }
0x8: {  	s13 =	smax.u32 s4, $0x1;
	[dreg:$0x4] =	wrdreg s9  }
0x9: {  	s14 =	sadd.s32 $0x4000, s9;
	[dreg:$0x6] =	wrdreg s13  }
0xa: {  	s15 =	sadd.s32 $0x8000, s9;
	[dreg:$0x7] =	wrdreg s14  }
0xb: {  	s16 =	sadd.s32 $0xC000, s9;
	[dreg:$0x8] =	wrdreg s15  }
0xc: {  	s29 =	simm.s32 $0xD800;
	s17 =	sadd.s32 $0x10000, s9;
	[dreg:$0x9] =	wrdreg s16  }
0xd: {  	s30 =	simm.s32 $0xE800;
	s18 =	sadd.s32 $0x14000, s9;
	[dreg:$0xa] =	wrdreg s17  }
0xe: {  	s11 =	simm.s32 $0x11800;
	s19 =	sadd.s32 $0x18000, s9;
	[dreg:$0xb] =	wrdreg s18  }
0xf: {  	s7 =	sor.u32 $0x100, s3;
	s20 =	sadd.s32 $0x1C000, s9;
	[dreg:$0xc] =	wrdreg s19  }
0x10: {  	s5 =	sadd.s32 s1, s3;
	s10 =	sadd.s32 s0, s7;
	[dreg:$0xd] =	wrdreg s20  }
0x11: {  	s6 =	sadd.s32 $0x80, s5;
	s21 =	sadd.s32 $0x4000, s10;
	[dreg:$0x5] =	wrdreg s10  }
0x12: {  	s7 =	sadd.s32 s1, s7;
	s22 =	sadd.s32 $0x8000, s10;
	[dreg:$0xe] =	wrdreg s21  }
0x13: {  	s8 =	sadd.s32 $0x180, s5;
	s23 =	sadd.s32 $0xC000, s10;
	[dreg:$0xf] =	wrdreg s22  }
.Ltmp0:
0x14: {  	s24 =	sadd.s32 $0x10000, s10;
	[dreg:$0x10] =	wrdreg s23;
	(pc) =	sbr.rel .LBB2_1-.Ltmp0, $4  }
0x15: {  	s0 =	simm.s32 $0x8000;
	s25 =	sadd.s32 $0x14000, s10;
	[dreg:$0x11] =	wrdreg s24  }
0x16: {  	s9 =	simm.s32 $0xF800;
	s26 =	sadd.s32 $0x18000, s10;
	[dreg:$0x12] =	wrdreg s25  }
0x17: {  	s31 =	sadd.s32 $0x1C000, s10;
	s10 =	simm.s32 $0x10800;
	[dreg:$0x13] =	wrdreg s26  }
0x18: {  	v0 =	vimm.f32 $0.0e+00;
	v1 =	vlaneseq.u32;
	v2 =	vimm.f32 $1.000000000e+00;
	s14 =	simm.s32 $0x0;
	s15 =	simm.s32 $0x0;
	[dreg:$0x14] =	wrdreg s31  }
.LBB2_10:
0x19: {  	s1 =	simm.s32 $0x8C00  }
0x1a: {  	[hbm4b:s8+s2] =	stream.linear.scatter [tilespmem:s1], [sflag:$0x3], $0x400, $0x38;
	[tilespmem:$0x12000] =	vst v63  }
0x1b: {  	s26 =	sadd.s32 $0x4000, s8;
	s3 =	simm.s32 $0x9C00  }
0x1c: {  	[hbm4b:s26+s2] =	stream.linear.scatter [tilespmem:s3], [sflag:$0x3], $0x400, $0x38;
	[tilespmem:$0x12000] =	vst v63  }
0x1d: {  	s28 =	sadd.s32 $0x8000, s8;
	s31 =	simm.s32 $0xAC00  }
0x1e: {  	[hbm4b:s28+s2] =	stream.linear.scatter [tilespmem:s31], [sflag:$0x3], $0x400, $0x38;
	[tilespmem:$0x12000] =	vst v63  }
0x1f: {  	s4 =	simm.s32 $0xBC00;
	s3 =	sadd.s32 $0xC000, s8  }
0x20: {  	[hbm4b:s3+s2] =	stream.linear.scatter [tilespmem:s4], [sflag:$0x3], $0x400, $0x38;
	[tilespmem:$0x12000] =	vst v63  }
0x21: {  	s12 =	sadd.s32 $0x10000, s8;
	s13 =	simm.s32 $0xCC00  }
0x22: {  	[hbm4b:s12+s2] =	stream.linear.scatter [tilespmem:s13], [sflag:$0x3], $0x400, $0x38;
	[tilespmem:$0x12000] =	vst v63  }
0x23: {  	s16 =	sadd.s32 $0x14000, s8;
	s17 =	simm.s32 $0xDC00  }
0x24: {  	[hbm4b:s16+s2] =	stream.linear.scatter [tilespmem:s17], [sflag:$0x3], $0x400, $0x38;
	[tilespmem:$0x12000] =	vst v63  }
0x25: {  	s18 =	sadd.s32 $0x18000, s8;
	s19 =	simm.s32 $0xEC00  }
0x26: {  	[hbm4b:s18+s2] =	stream.linear.scatter [tilespmem:s19], [sflag:$0x3], $0x400, $0x38;
	[tilespmem:$0x12000] =	vst v63  }
0x27: {  	s20 =	sadd.s32 $0x1C000, s8;
	s21 =	simm.s32 $0xFC00  }
0x28: {  	[hbm4b:s20+s2] =	stream.linear.scatter [tilespmem:s21], [sflag:$0x3], $0x400, $0x38;
	[tilespmem:$0x12000] =	vst v63  }
0x29: {  	s22 =	sadd.s32 $0x20000, s8;
	s23 =	simm.s32 $0x10C00  }
0x2a: {  	[hbm4b:s22+s2] =	stream.linear.scatter [tilespmem:s23], [sflag:$0x3], $0x400, $0x38;
	[tilespmem:$0x12000] =	vst v63  }
0x2b: {  	s24 =	sadd.s32 $0x24000, s8;
	s25 =	simm.s32 $0x11C00;
	s26 =	simm.s32 $0x2  }
0x2c: {  	[hbm4b:s24+s2] =	stream.linear.scatter [tilespmem:s25], [sflag:$0x3], $0x400, $0x38;
	[tilespmem:$0x12000] =	vst v63  }
0x2d: {  	_ =	swait.ge [sflag:s26], $0x2800  }
0x2e: {  	[sflag:s26] =	ssyncset.done $0x0  }
0x2f: {  	s28 =	simm.s32 $0x3;
	[sflag:s26] =	ssyncadd.s32 $0xFFFFD800  }
0x30: {  	_ =	swait.ge [sflag:s28], $0x2800  }
0x31: {  	[sflag:s28] =	ssyncset.done $0x0  }
0x32: {  	[sflag:s28] =	ssyncadd.s32 $0xFFFFD800  }
0x33: {  	_ =	swait.ge [sflag:s26], $0x2800  }
0x34: {  	[sflag:s26] =	ssyncset.done $0x0  }
0x35: {  	[sflag:s26] =	ssyncadd.s32 $0xFFFFD800  }
0x36: {  	_ =	swait.ge [sflag:s28], $0x2800  }
0x37: {  	s14 =	sadd.s32 $0x1, s14;
	s31 =	rddreg [dreg:$0x6]  }
0x38: {  	p0 =	sne.s32 s14, s31  }
.Ltmp1:
0x39: {  	_ = 	snop;
	(pc) =	sbr.rel @!p0 .LBB2_11-.Ltmp1, $3  }
0x3a: {  	_ =	sdelay $0x1  }
0x3b: {  	[sflag:s28] =	ssyncset.done $0x0  }
0x3c: {  	[sflag:s28] =	ssyncadd.s32 $0xFFFFD800  }
.LBB2_1:
0x3d: {  	s1 =	rddreg [dreg:$0x4]  }
0x3e: {  	s12 =	rddreg [dreg:$0x7]  }
0x3f: {  	[tilespmem:s2], [sflag:$0x1] =	stream.linear.gather [hbm4b:s1+s2], $0x800, $0x38;
	[tilespmem:$0x12000] =	vst v63  }
0x40: {  	s3 =	simm.s32 $0x1000;
	s13 =	rddreg [dreg:$0x8]  }
0x41: {  	[tilespmem:s3], [sflag:$0x1] =	stream.linear.gather [hbm4b:s12+s2], $0x800, $0x38;
	[tilespmem:$0x12000] =	vst v63  }
0x42: {  	s16 =	simm.s32 $0x2000;
	s17 =	rddreg [dreg:$0x9]  }
0x43: {  	[tilespmem:s16], [sflag:$0x1] =	stream.linear.gather [hbm4b:s13+s2], $0x800, $0x38;
	[tilespmem:$0x12000] =	vst v63  }
0x44: {  	s18 =	simm.s32 $0x3000;
	s19 =	rddreg [dreg:$0xa]  }
0x45: {  	[tilespmem:s18], [sflag:$0x1] =	stream.linear.gather [hbm4b:s17+s2], $0x800, $0x38;
	[tilespmem:$0x12000] =	vst v63  }
0x46: {  	s20 =	simm.s32 $0x4000;
	s21 =	rddreg [dreg:$0xb]  }
0x47: {  	[tilespmem:s20], [sflag:$0x1] =	stream.linear.gather [hbm4b:s19+s2], $0x800, $0x38;
	[tilespmem:$0x12000] =	vst v63  }
0x48: {  	s22 =	simm.s32 $0x5000;
	s23 =	rddreg [dreg:$0xc]  }
0x49: {  	[tilespmem:s22], [sflag:$0x1] =	stream.linear.gather [hbm4b:s21+s2], $0x800, $0x38;
	[tilespmem:$0x12000] =	vst v63  }
0x4a: {  	s24 =	simm.s32 $0x6000;
	s25 =	rddreg [dreg:$0xd]  }
0x4b: {  	[tilespmem:s24], [sflag:$0x1] =	stream.linear.gather [hbm4b:s23+s2], $0x800, $0x38;
	[tilespmem:$0x12000] =	vst v63  }
0x4c: {  	s26 =	simm.s32 $0x7000;
	s28 =	rddreg [dreg:$0x5]  }
0x4d: {  	[tilespmem:s26], [sflag:$0x1] =	stream.linear.gather [hbm4b:s25+s2], $0x800, $0x38;
	[tilespmem:$0x12000] =	vst v63  }
0x4e: {  	s31 =	simm.s32 $0x800;
	s4 =	rddreg [dreg:$0xe]  }
0x4f: {  	[tilespmem:s31], [sflag:$0x1] =	stream.linear.gather [hbm4b:s28+s2], $0x800, $0x38;
	[tilespmem:$0x12000] =	vst v63  }
0x50: {  	s12 =	simm.s32 $0x1800;
	s13 =	rddreg [dreg:$0xf]  }
0x51: {  	[tilespmem:s12], [sflag:$0x1] =	stream.linear.gather [hbm4b:s4+s2], $0x800, $0x38;
	[tilespmem:$0x12000] =	vst v63  }
0x52: {  	s16 =	simm.s32 $0x2800;
	s17 =	rddreg [dreg:$0x10]  }
0x53: {  	[tilespmem:s16], [sflag:$0x1] =	stream.linear.gather [hbm4b:s13+s2], $0x800, $0x38;
	[tilespmem:$0x12000] =	vst v63  }
0x54: {  	s18 =	simm.s32 $0x3800;
	s19 =	rddreg [dreg:$0x11]  }
0x55: {  	[tilespmem:s18], [sflag:$0x1] =	stream.linear.gather [hbm4b:s17+s2], $0x800, $0x38;
	[tilespmem:$0x12000] =	vst v63  }
0x56: {  	s20 =	simm.s32 $0x4800;
	s21 =	rddreg [dreg:$0x12]  }
0x57: {  	[tilespmem:s20], [sflag:$0x1] =	stream.linear.gather [hbm4b:s19+s2], $0x800, $0x38;
	[tilespmem:$0x12000] =	vst v63  }
0x58: {  	s22 =	simm.s32 $0x5800;
	s23 =	rddreg [dreg:$0x13]  }
0x59: {  	[tilespmem:s22], [sflag:$0x1] =	stream.linear.gather [hbm4b:s21+s2], $0x800, $0x38;
	[tilespmem:$0x12000] =	vst v63  }
0x5a: {  	s24 =	simm.s32 $0x6800;
	s28 =	sand.u32 $0xF000, s2;
	s31 =	sand.u32 $0x380, s2  }
0x5b: {  	[tilespmem:s24], [sflag:$0x1] =	stream.linear.gather [hbm4b:s23+s2], $0x800, $0x38;
	[tilespmem:$0x12000] =	vst v63  }
0x5c: {  	s25 =	rddreg [dreg:$0x14];
	s26 =	simm.s32 $0x7800;
	s1 =	sor.u32 s31, s28  }
0x5d: {  	[tilespmem:s26], [sflag:$0x1] =	stream.linear.gather [hbm4b:s25+s2], $0x800, $0x38;
	[tilespmem:$0x12000] =	vst v63  }
0x5e: {  	[tilespmem:s1+$0x8C70] =	vst v0  }
0x5f: {  	[tilespmem:s1+$0x8000] =	vst v0  }
0x60: {  	[tilespmem:s1+$0x8010] =	vst v0  }
0x61: {  	[tilespmem:s1+$0x8020] =	vst v0  }
0x62: {  	[tilespmem:s1+$0x8030] =	vst v0  }
0x63: {  	[tilespmem:s1+$0x8040] =	vst v0  }
0x64: {  	[tilespmem:s1+$0x8050] =	vst v0  }
0x65: {  	[tilespmem:s1+$0x8060] =	vst v0  }
0x66: {  	[tilespmem:s1+$0x8070] =	vst v0  }
0x67: {  	[tilespmem:s1+$0x8400] =	vst v0  }
0x68: {  	[tilespmem:s1+$0x8410] =	vst v0  }
0x69: {  	[tilespmem:s1+$0x8420] =	vst v0  }
0x6a: {  	[tilespmem:s1+$0x8430] =	vst v0  }
0x6b: {  	[tilespmem:s1+$0x8440] =	vst v0  }
0x6c: {  	[tilespmem:s1+$0x8450] =	vst v0  }
0x6d: {  	[tilespmem:s1+$0x8460] =	vst v0  }
0x6e: {  	[tilespmem:s1+$0x8470] =	vst v0  }
0x6f: {  	[tilespmem:s1+$0x8800] =	vst v0  }
0x70: {  	[tilespmem:s1+$0x8810] =	vst v0  }
0x71: {  	[tilespmem:s1+$0x8820] =	vst v0  }
0x72: {  	[tilespmem:s1+$0x8830] =	vst v0  }
0x73: {  	[tilespmem:s1+$0x8840] =	vst v0  }
0x74: {  	[tilespmem:s1+$0x8850] =	vst v0  }
0x75: {  	[tilespmem:s1+$0x8860] =	vst v0  }
0x76: {  	[tilespmem:s1+$0x8870] =	vst v0  }
0x77: {  	[tilespmem:s1+$0x8C00] =	vst v0  }
0x78: {  	[tilespmem:s1+$0x8C10] =	vst v0  }
0x79: {  	[tilespmem:s1+$0x8C20] =	vst v0  }
0x7a: {  	[tilespmem:s1+$0x8C30] =	vst v0  }
0x7b: {  	s3 =	simm.s32 $0x80;
	s4 =	simm.s32 $0x200;
	[tilespmem:s1+$0x8C40] =	vst v0  }
0x7c: {  	s12 =	sand.u32 $0xF000, s4;
	s4 =	simm.s32 $0x400;
	s13 =	sand.u32 $0x380, s3;
	[tilespmem:s1+$0x8C50] =	vst v0  }
.LBB2_2:
0x7d: {  	p0 =	sne.s32 s4, $0x9E00;
	[tilespmem:s1+$0x8C60] =	vst v0;
	s1 =	sor.u32 s13, s12  }
0x7e: {  	[tilespmem:s1+$0x8C70] =	vst v0  }
0x7f: {  	[tilespmem:s1+$0x8000] =	vst v0  }
0x80: {  	[tilespmem:s1+$0x8010] =	vst v0  }
0x81: {  	[tilespmem:s1+$0x8020] =	vst v0  }
0x82: {  	[tilespmem:s1+$0x8030] =	vst v0  }
0x83: {  	[tilespmem:s1+$0x8040] =	vst v0  }
0x84: {  	[tilespmem:s1+$0x8050] =	vst v0  }
0x85: {  	[tilespmem:s1+$0x8060] =	vst v0  }
0x86: {  	[tilespmem:s1+$0x8070] =	vst v0  }
0x87: {  	[tilespmem:s1+$0x8400] =	vst v0  }
0x88: {  	[tilespmem:s1+$0x8410] =	vst v0  }
0x89: {  	[tilespmem:s1+$0x8420] =	vst v0  }
0x8a: {  	[tilespmem:s1+$0x8430] =	vst v0  }
0x8b: {  	[tilespmem:s1+$0x8440] =	vst v0  }
0x8c: {  	[tilespmem:s1+$0x8450] =	vst v0  }
0x8d: {  	[tilespmem:s1+$0x8460] =	vst v0  }
0x8e: {  	[tilespmem:s1+$0x8470] =	vst v0  }
0x8f: {  	[tilespmem:s1+$0x8800] =	vst v0  }
0x90: {  	[tilespmem:s1+$0x8810] =	vst v0  }
0x91: {  	[tilespmem:s1+$0x8820] =	vst v0  }
0x92: {  	[tilespmem:s1+$0x8830] =	vst v0  }
0x93: {  	[tilespmem:s1+$0x8840] =	vst v0  }
0x94: {  	[tilespmem:s1+$0x8850] =	vst v0  }
0x95: {  	[tilespmem:s1+$0x8860] =	vst v0  }
0x96: {  	[tilespmem:s1+$0x8870] =	vst v0  }
0x97: {  	[tilespmem:s1+$0x8C00] =	vst v0  }
.Ltmp2:
0x98: {  	[tilespmem:s1+$0x8C10] =	vst v0;
	(pc) =	sbr.rel @p0 .LBB2_2-.Ltmp2, $4  }
0x99: {  	[tilespmem:s1+$0x8C20] =	vst v0  }
0x9a: {  	[tilespmem:s1+$0x8C30] =	vst v0  }
0x9b: {  	s3 =	sadd.s32 $0x80, s3;
	[tilespmem:s1+$0x8C40] =	vst v0  }
0x9c: {  	s12 =	sand.u32 $0xF000, s4;
	s4 =	sadd.s32 $0x200, s4;
	s13 =	sand.u32 $0x380, s3;
	[tilespmem:s1+$0x8C50] =	vst v0  }
0x9d: {  	s3 =	sor.u32 s13, s12;
	[tilespmem:s1+$0x8C60] =	vst v0  }
0x9e: {  	[tilespmem:s3+$0x8C70] =	vst v0  }
0x9f: {  	[tilespmem:s3+$0x8000] =	vst v0  }
0xa0: {  	[tilespmem:s3+$0x8010] =	vst v0  }
0xa1: {  	[tilespmem:s3+$0x8020] =	vst v0  }
0xa2: {  	[tilespmem:s3+$0x8030] =	vst v0  }
0xa3: {  	[tilespmem:s3+$0x8040] =	vst v0  }
0xa4: {  	[tilespmem:s3+$0x8050] =	vst v0  }
0xa5: {  	[tilespmem:s3+$0x8060] =	vst v0  }
0xa6: {  	[tilespmem:s3+$0x8070] =	vst v0  }
0xa7: {  	[tilespmem:s3+$0x8400] =	vst v0  }
0xa8: {  	[tilespmem:s3+$0x8410] =	vst v0  }
0xa9: {  	[tilespmem:s3+$0x8420] =	vst v0  }
0xaa: {  	[tilespmem:s3+$0x8430] =	vst v0  }
0xab: {  	[tilespmem:s3+$0x8440] =	vst v0  }
0xac: {  	[tilespmem:s3+$0x8450] =	vst v0  }
0xad: {  	[tilespmem:s3+$0x8460] =	vst v0  }
0xae: {  	[tilespmem:s3+$0x8470] =	vst v0  }
0xaf: {  	[tilespmem:s3+$0x8800] =	vst v0  }
0xb0: {  	[tilespmem:s3+$0x8810] =	vst v0  }
0xb1: {  	[tilespmem:s3+$0x8820] =	vst v0  }
0xb2: {  	[tilespmem:s3+$0x8830] =	vst v0  }
0xb3: {  	[tilespmem:s3+$0x8840] =	vst v0  }
0xb4: {  	[tilespmem:s3+$0x8850] =	vst v0  }
0xb5: {  	[tilespmem:s3+$0x8860] =	vst v0  }
0xb6: {  	[tilespmem:s3+$0x8870] =	vst v0  }
0xb7: {  	[tilespmem:s3+$0x8C00] =	vst v0  }
0xb8: {  	[tilespmem:s3+$0x8C10] =	vst v0  }
0xb9: {  	[tilespmem:s3+$0x8C20] =	vst v0  }
0xba: {  	[tilespmem:s3+$0x8C30] =	vst v0  }
0xbb: {  	[tilespmem:s3+$0x8C40] =	vst v0  }
.Ltmp3:
0xbc: {  	[tilespmem:s3+$0x8C50] =	vst v0;
	(pc) =	sbr.rel .LBB2_4-.Ltmp3, $4  }
0xbd: {  	s31 =	simm.s32 $0x1;
	[tilespmem:s3+$0x8C60] =	vst v0  }
0xbe: {  	_ =	swait.ge [sflag:s31], $0x4000  }
0xbf: {  	[sflag:s31] =	ssyncset.done $0x0  }
0xc0: {  	s16 =	simm.s32 $0x0;
	[sflag:s31] =	ssyncadd.s32 $0xFFFFC000  }
.LBB2_8:
0xc1: {  	s1 =	simm.s32 $0x8800  }
0xc2: {  	[hbm4b:s7+s2] =	stream.linear.scatter [tilespmem:s1], [sflag:$0x2], $0x400, $0x38;
	[tilespmem:$0x12000] =	vst v63  }
0xc3: {  	s17 =	sadd.s32 $0x4000, s7;
	s3 =	simm.s32 $0x9800  }
0xc4: {  	[hbm4b:s17+s2] =	stream.linear.scatter [tilespmem:s3], [sflag:$0x2], $0x400, $0x38;
	[tilespmem:$0x12000] =	vst v63  }
0xc5: {  	s18 =	sadd.s32 $0x8000, s7;
	s19 =	simm.s32 $0xA800  }
0xc6: {  	[hbm4b:s18+s2] =	stream.linear.scatter [tilespmem:s19], [sflag:$0x2], $0x400, $0x38;
	[tilespmem:$0x12000] =	vst v63  }
0xc7: {  	s20 =	sadd.s32 $0xC000, s7;
	s21 =	simm.s32 $0xB800  }
0xc8: {  	[hbm4b:s20+s2] =	stream.linear.scatter [tilespmem:s21], [sflag:$0x2], $0x400, $0x38;
	[tilespmem:$0x12000] =	vst v63  }
0xc9: {  	s22 =	sadd.s32 $0x10000, s7;
	s23 =	simm.s32 $0xC800  }
0xca: {  	[hbm4b:s22+s2] =	stream.linear.scatter [tilespmem:s23], [sflag:$0x2], $0x400, $0x38;
	[tilespmem:$0x12000] =	vst v63  }
0xcb: {  	s24 =	sadd.s32 $0x14000, s7  }
0xcc: {  	[hbm4b:s24+s2] =	stream.linear.scatter [tilespmem:s29], [sflag:$0x2], $0x400, $0x38;
	[tilespmem:$0x12000] =	vst v63  }
0xcd: {  	s25 =	sadd.s32 $0x18000, s7  }
0xce: {  	[hbm4b:s25+s2] =	stream.linear.scatter [tilespmem:s30], [sflag:$0x2], $0x400, $0x38;
	[tilespmem:$0x12000] =	vst v63  }
0xcf: {  	s26 =	sadd.s32 $0x1C000, s7  }
0xd0: {  	[hbm4b:s26+s2] =	stream.linear.scatter [tilespmem:s9], [sflag:$0x2], $0x400, $0x38;
	[tilespmem:$0x12000] =	vst v63  }
0xd1: {  	s28 =	sadd.s32 $0x20000, s7  }
0xd2: {  	[hbm4b:s28+s2] =	stream.linear.scatter [tilespmem:s10], [sflag:$0x2], $0x400, $0x38;
	[tilespmem:$0x12000] =	vst v63  }
0xd3: {  	s31 =	sadd.s32 $0x24000, s7  }
0xd4: {  	[hbm4b:s31+s2] =	stream.linear.scatter [tilespmem:s11], [sflag:$0x2], $0x400, $0x38;
	[tilespmem:$0x12000] =	vst v63  }
.LBB2_9:
0xd5: {  	s16 =	sadd.s32 $0x1, s16  }
0xd6: {  	p0 =	sne.s32 s16, $0x20  }
.Ltmp4:
0xd7: {  	_ = 	snop;
	(pc) =	sbr.rel @!p0 .LBB2_10-.Ltmp4, $1  }
0xd8: {  	_ =	sdelay $0x3  }
.LBB2_4:
0xd9: {  	s1 =	sshll.u32 s16, $0x4;
	s3 =	sshll.u32 s16, $0x7  }
0xda: {  	s23 =	simm.s32 $0x280;
	s21 =	simm.s32 $0x480;
	s22 =	simm.s32 $0x1400  }
0xdb: {  	s19 =	simm.s32 $0x380;
	s24 =	sand.u32 $0xF000, s15;
	s12 =	simm.s32 $0x400  }
0xdc: {  	s13 =	sand.u32 $0x300, s15;
	s17 =	simm.s32 $0x100;
	s28 =	simm.s32 $0x600  }
0xdd: {  	p1 =	por $0x1, $0x1;
	p0 =	por $0x1, $0x1;
	s4 =	sand.u32 $0x70, s1  }
0xde: {  	s18 =	sand.u32 $0xC00, s3;
	s20 =	sand.u32 $0x380, s23;
	s25 =	sand.u32 $0x1F000, s12  }
0xdf: {  	s26 =	sand.u32 $0x300, s17;
	s17 =	rddreg [dreg:$0x3];
	s23 =	sand.u32 $0x1F000, s28  }
0xe0: {  	s28 =	sand.u32 $0x380, s21;
	s3 =	sor.u32 s18, s24;
	s24 =	simm.s32 $0x180  }
0xe1: {  	v4 =	vmov s4;
	s17 =	simm.s32 @!p1 $0x18;
	s31 =	sadd.s32 s13, s3;
	s3 =	sor.u32 s25, s18  }
0xe2: {  	s4 =	sand.u32 $0x380, s24;
	s25 =	simm.s32 $0xC00;
	s24 =	simm.s32 $0x300  }
0xe3: {  	s12 =	sadd.s32 s26, s3;
	s3 =	sor.u32 s23, s18;
	s23 =	simm.s32 $0x800  }
0xe4: {  	s13 =	sand.u32 $0x1F000, s25;
	s25 =	simm.s32 $0x1200;
	s24 =	sand.u32 $0x300, s24  }
0xe5: {  	s26 =	simm.s32 $0x200;
	s13 =	sor.u32 s13, s18;
	s25 =	sand.u32 $0x1F000, s25  }
0xe6: {  	v3 =	vmov s1;
	s23 =	sand.u32 $0x1F000, s23;
	s13 =	sadd.s32 s24, s13;
	s25 =	sor.u32 s25, s18;
	v8 =	vld.idx.msk [tilespmem:v4+s31+$0x80 ss:$0x1], $0xffff  }
0xe7: {  	v5 =	vor.u32 s1, v1;
	v3 =	vshll.u32 v3, $0x3;
	s26 =	sand.u32 $0x300, s26;
	s23 =	sor.u32 s23, s18;
	v7 =	vld.idx.msk [tilespmem:v4+s13+$0x0 ss:$0x1], $0xffff;
	s28 =	sadd.s32 s28, s25  }
0xe8: {  	v6 =	vand.u32 $0x7F, v5;
	v3 =	vand.u32 $0xC00, v3;
	s17 =	simm.s32 @p0 $0x0;
	s13 =	sadd.s32 s4, s3;
	s1 =	sadd.s32 s26, s23;
	v5 =	vld.idx.msk [tilespmem:v4+s28+$0x0 ss:$0x1], $0xffff  }
0xe9: {  	v3 =	vor.u32 v6, v3;
	v6 =	vld.idx.msk [tilespmem:v4+s31+$0x0 ss:$0x1], $0xffff;
	s3 =	simm.s32 $0x0;
	s4 =	simm.s32 $0x0;
	s23 =	simm.s32 $0x0  }
.LBB2_5:
0xea: {  	_ = 	snop  }
0xeb: {  	v10 =	vld.idx.msk [tilespmem:v4+s31+$0x1000 ss:$0x1], $0xffff;
	vm1 =	vge.s32 v8, s17;
	v9 =	vshll.u32 v8, $0x9  }
0xec: {  	v12 =	vld.idx.msk [tilespmem:v4+s12+$0x0 ss:$0x1], $0xffff;
	v8 =	vshll.u32 v8, $0x7;
	v11 =	vshll.u32 v7, $0x7;
	v13 =	vshll.u32 v7, $0x9  }
0xed: {  	v16 =	vld.idx.msk [tilespmem:v4+s13+$0x0 ss:$0x1], $0xffff;
	v14 =	vshll.u32 v5, $0x9;
	v15 =	vshll.u32 v5, $0x7;
	vm0 =	vge.s32 v7, s17  }
0xee: {  	v52 =	vld.idx.msk [tilespmem:v4+s1+$0x0 ss:$0x1], $0xffff;
	v7 =	vshll.u32 v6, $0x7;
	vm5 =	vge.s32 v6, s17;
	v6 =	vshll.u32 v6, $0x9  }
0xef: {  	v9 =	vand.u32 $0xFFFFF000, v9;
	v8 =	vand.u32 $0x380, v8;
	v14 =	vand.u32 $0xFFFFF000, v14  }
0xf0: {  	v7 =	vand.u32 $0x380, v7;
	v13 =	vand.u32 $0xFFFFF000, v13;
	v11 =	vand.u32 $0x380, v11  }
0xf1: {  	s28 =	sadd.s32 $0xA00, s23;
	v6 =	vand.u32 $0xFFFFF000, v6;
	v17 =	vshll.u32 v10, $0x9;
	v18 =	vshll.u32 v10, $0x7  }
0xf2: {  	s12 =	sand.u32 $0x1F000, s28;
	vm2 =	vge.s32 v16, s17;
	v19 =	vshll.u32 v12, $0x7;
	v20 =	vshll.u32 v16, $0x9  }
0xf3: {  	s21 =	sadd.s32 $0x500, s21;
	s12 =	sor.u32 s12, s18;
	vm4 =	vge.s32 v12, s17;
	vm3 =	vge.s32 v52, s17;
	v56 =	vshll.u32 v16, $0x7  }
0xf4: {  	s13 =	sadd.s32 $0xE00, s23;
	s25 =	sadd.s32 $0xFFFFFE00, s21;
	s1 =	sadd.s32 s20, s12;
	v57 =	vshll.u32 v52, $0x9;
	vm6 =	vge.s32 v10, s17;
	v8 =	vor.u32 v9, v8  }
0xf5: {  	s25 =	sand.u32 $0x380, s25;
	v53 =	vld.idx.msk [tilespmem:v4+s1+$0x0 ss:$0x1], $0xffff;
	s1 =	sand.u32 $0x1F000, s13;
	v9 =	vand.u32 $0x380, v15;
	v6 =	vor.u32 v6, v7;
	v7 =	vshll.u32 v12, $0x9  }
0xf6: {  	s20 =	smov.u32 s25;
	s25 =	sand.u32 $0x380, s19;
	s1 =	sor.u32 s1, s18;
	v18 =	vand.u32 $0x380, v18;
	v17 =	vand.u32 $0xFFFFF000, v17;
	v6 =	vor.u32 v3, v6  }
0xf7: {  	s1 =	sadd.s32 s25, s1;
	v54 =	vand.u32 $0x380, v19;
	v55 =	vand.u32 $0xFFFFF000, v20;
	v8 =	vor.u32 v3, v8  }
0xf8: {  	v12 =	vand.u32 $0x380, v56;
	v15 =	vshll.u32 v52, $0x7;
	v11 =	vor.u32 v13, v11;
	v21 =	vld.idx.msk [tilespmem:v4+s1+$0x0 ss:$0x1], $0xffff  }
0xf9: {  	v9 =	vor.u32 v14, v9;
	v7 =	vand.u32 $0xFFFFF000, v7;
	v12 =	vor.u32 v55, v12  }
0xfa: {  	s3 =	sadd.s32 $0x1, s3;
	v15 =	vand.u32 $0x380, v15;
	v7 =	vor.u32 v7, v54;
	v12 =	vor.u32 v3, v12  }
0xfb: {  	s4 =	sadd.s32 $0x100, s4;
	s24 =	smov.u32 s22;
	p0 =	sne.s32 s22, $0x6400;
	v58 =	vshll.u32 v53, $0x7;
	vm14 =	vge.s32 v53, s17;
	v7 =	vor.u32 v3, v7;
	[tilespmem:v6+s0+$0x0] =	vst.idx.add.f32.msk vm5, v2  }
0xfc: {  	s26 =	sadd.s32 $0xFFFFFF00, s21;
	s23 =	smov.u32 s24;
	s28 =	sand.u32 $0x300, s4;
	v59 =	vand.u32 $0x380, v58;
	v6 =	vand.u32 $0xFFFFF000, v57;
	[tilespmem:v8+s0+$0x0] =	vst.idx.add.f32.msk vm1, v2;
	v8 =	vshll.u32 v53, $0x9  }
0xfd: {  	p1 =	slt.u32 s3, $0x4;
	s19 =	smov.u32 s26;
	s26 =	sand.u32 $0xF000, s23;
	v60 =	vshll.u32 v21, $0x7;
	v6 =	vor.u32 v6, v15;
	v8 =	vand.u32 $0xFFFFF000, v8  }
0xfe: {  	p2 =	slt.u32 s3, $0x2;
	s13 =	sor.u32 s18, s26;
	s26 =	sadd.s32 $0xFFFFFC80, s21;
	v61 =	vshll.u32 v21, $0x9;
	v6 =	vor.u32 v3, v6;
	v8 =	vor.u32 v8, v59  }
0xff: {  	s24 =	sadd.s32 $0x400, s23;
	s31 =	sadd.s32 s28, s13;
	s28 =	sand.u32 $0x300, s26;
	v14 =	vand.u32 $0x380, v60;
	v62 =	vand.u32 $0xFFFFF000, v61;
	v8 =	vor.u32 v3, v8  }
0x100: {  	s13 =	sadd.s32 $0x600, s23;
	s26 =	sadd.s32 $0x800, s23;
	s25 =	sand.u32 $0x1F000, s24;
	v10 =	vor.u32 v3, v11;
	vm15 =	vge.s32 v21, s17;
	v11 =	vor.u32 v62, v14  }
0x101: {  	vm7 =	vge.s32 v5, s17;
	s24 =	rddreg [dreg:$0x3];
	s12 =	sor.u32 s25, s18;
	s1 =	sand.u32 $0x1F000, s13;
	v63 =	vor.u32 v17, v18;
	[tilespmem:v7+s0+$0x0] =	vst.idx.add.f32.msk vm4, v2;
	v5 =	vor.u32 v3, v11  }
0x102: {  	s25 =	sadd.s32 $0xFFFFFD00, s21;
	s24 =	simm.s32 @!p1 $0x18;
	s12 =	sadd.s32 s28, s12;
	v7 =	vor.u32 v3, v63;
	[tilespmem:v12+s0+$0x0] =	vst.idx.add.f32.msk vm2, v2  }
0x103: {  	s13 =	sand.u32 $0x380, s25;
	s1 =	sor.u32 s1, s18;
	s24 =	simm.s32 @p2 $0x0;
	[tilespmem:v6+s0+$0x0] =	vst.idx.add.f32.msk vm3, v2;
	v6 =	vor.u32 v3, v9  }
0x104: {  	s28 =	sadd.s32 $0xFFFFFD80, s21;
	s13 =	sadd.s32 s13, s1;
	s1 =	sand.u32 $0x1F000, s26;
	[tilespmem:v8+s0+$0x0] =	vst.idx.add.f32.msk vm14, v2  }
0x105: {  	s25 =	sand.u32 $0x300, s28;
	s28 =	sadd.s32 $0x1200, s23;
	s1 =	sor.u32 s1, s18;
	[tilespmem:v10+s0+$0x0] =	vst.idx.add.f32.msk vm0, v2  }
0x106: {  	s26 =	sadd.s32 $0xC00, s23;
	s28 =	sand.u32 $0x1F000, s28;
	s1 =	sadd.s32 s25, s1;
	[tilespmem:v5+s0+$0x0] =	vst.idx.add.f32.msk vm15, v2  }
0x107: {  	s17 =	smov.u32 s24;
	s24 =	sand.u32 $0x1F000, s26;
	s26 =	sadd.s32 $0xFFFFFE80, s21;
	[tilespmem:v7+s0+$0x0] =	vst.idx.add.f32.msk vm6, v2  }
.Ltmp5:
0x108: {  	s26 =	sand.u32 $0x300, s26;
	s24 =	sor.u32 s24, s18;
	[tilespmem:v6+s0+$0x0] =	vst.idx.add.f32.msk vm7, v2;
	(pc) =	sbr.rel @p0 .LBB2_5-.Ltmp5, $4  }
0x109: {  	s25 =	sand.u32 $0x380, s21;
	s28 =	sor.u32 s28, s18;
	s24 =	sadd.s32 s26, s24;
	v8 =	vld.idx.msk [tilespmem:v4+s31+$0x80 ss:$0x1], $0xffff  }
0x10a: {  	s28 =	sadd.s32 s25, s28;
	v7 =	vld.idx.msk [tilespmem:v4+s24+$0x0 ss:$0x1], $0xffff  }
0x10b: {  	v5 =	vld.idx.msk [tilespmem:v4+s28+$0x0 ss:$0x1], $0xffff  }
0x10c: {  	s22 =	sadd.s32 $0x1400, s22;
	v6 =	vld.idx.msk [tilespmem:v4+s31+$0x0 ss:$0x1], $0xffff  }
0x10d: {  	_ =	sdelay $0x2  }
0x10e: {  	vm1 =	vge.s32 v8, s17;
	v9 =	vshll.u32 v8, $0x9;
	v45 =	vshll.u32 v8, $0x7  }
0x10f: {  	v11 =	vld.idx.msk [tilespmem:v4+s31+$0x1000 ss:$0x1], $0xffff;
	v9 =	vand.u32 $0xFFFFF000, v9;
	v8 =	vand.u32 $0x380, v45;
	v10 =	vshll.u32 v7, $0x7  }
0x110: {  	v15 =	vld.idx.msk [tilespmem:v4+s12+$0x0 ss:$0x1], $0xffff;
	v12 =	vshll.u32 v7, $0x9;
	vm0 =	vge.s32 v7, s17;
	v13 =	vshll.u32 v5, $0x9  }
0x111: {  	v16 =	vld.idx.msk [tilespmem:v4+s13+$0x0 ss:$0x1], $0xffff;
	v14 =	vshll.u32 v5, $0x7;
	v8 =	vor.u32 v9, v8;
	v12 =	vand.u32 $0xFFFFF000, v12  }
0x112: {  	v49 =	vld.idx.msk [tilespmem:v4+s1+$0x0 ss:$0x1], $0xffff;
	v10 =	vand.u32 $0x380, v10;
	v46 =	vshll.u32 v6, $0x7;
	v13 =	vand.u32 $0xFFFFF000, v13  }
0x113: {  	v47 =	vand.u32 $0x380, v14;
	vm2 =	vge.s32 v6, s17;
	v48 =	vshll.u32 v6, $0x9  }
0x114: {  	s3 =	sadd.s32 $0xA00, s23;
	v8 =	vor.u32 v3, v8;
	v10 =	vor.u32 v12, v10;
	v7 =	vand.u32 $0x380, v46  }
0x115: {  	s3 =	sand.u32 $0x1F000, s3;
	v6 =	vand.u32 $0xFFFFF000, v48;
	v17 =	vshll.u32 v11, $0x9;
	v18 =	vshll.u32 v11, $0x7  }
0x116: {  	s26 =	sor.u32 s3, s18;
	v50 =	vshll.u32 v15, $0x9;
	vm3 =	vge.s32 v16, s17;
	v20 =	vshll.u32 v15, $0x7  }
0x117: {  	s28 =	sadd.s32 $0xE00, s23;
	s1 =	sadd.s32 s20, s26;
	vm4 =	vge.s32 v15, s17;
	v51 =	vshll.u32 v16, $0x9;
	vm5 =	vge.s32 v49, s17  }
0x118: {  	v19 =	vld.idx.msk [tilespmem:v4+s1+$0x0 ss:$0x1], $0xffff;
	s1 =	sand.u32 $0x1F000, s28;
	v52 =	vshll.u32 v49, $0x9;
	v14 =	vshll.u32 v49, $0x7;
	v16 =	vshll.u32 v16, $0x7  }
0x119: {  	s31 =	sand.u32 $0x380, s19;
	s1 =	sor.u32 s1, s18;
	v60 =	vor.u32 v3, v10;
	v6 =	vor.u32 v6, v7;
	v18 =	vand.u32 $0x380, v18  }
0x11a: {  	v7 =	vand.u32 $0xFFFFF000, v50;
	v20 =	vand.u32 $0x380, v20;
	v15 =	vand.u32 $0xFFFFF000, v51;
	s1 =	sadd.s32 s31, s1  }
0x11b: {  	v14 =	vand.u32 $0x380, v14;
	v16 =	vand.u32 $0x380, v16;
	v6 =	vor.u32 v3, v6;
	v53 =	vld.idx.msk [tilespmem:v4+s1+$0x0 ss:$0x1], $0xffff  }
0x11c: {  	v7 =	vor.u32 v7, v20;
	v20 =	vand.u32 $0xFFFFF000, v52;
	v15 =	vor.u32 v15, v16  }
0x11d: {  	v14 =	vor.u32 v20, v14;
	v7 =	vor.u32 v3, v7;
	v15 =	vor.u32 v3, v15  }
0x11e: {  	v54 =	vshll.u32 v19, $0x7;
	v55 =	vshll.u32 v19, $0x9;
	v14 =	vor.u32 v3, v14  }
0x11f: {  	vm6 =	vge.s32 v19, s17;
	v20 =	vand.u32 $0x380, v54;
	v16 =	vand.u32 $0xFFFFF000, v55  }
0x120: {  	v16 =	vor.u32 v16, v20;
	v56 =	vshll.u32 v53, $0x7;
	v57 =	vshll.u32 v53, $0x9  }
0x121: {  	v16 =	vor.u32 v3, v16;
	[tilespmem:v6+s0+$0x0] =	vst.idx.add.f32.msk vm2, v2;
	v58 =	vand.u32 $0x380, v56;
	v59 =	vand.u32 $0xFFFFF000, v57  }
0x122: {  	v17 =	vand.u32 $0xFFFFF000, v17;
	vm13 =	vge.s32 v53, s17;
	[tilespmem:v8+s0+$0x0] =	vst.idx.add.f32.msk vm1, v2;
	v6 =	vor.u32 v59, v58  }
0x123: {  	vm14 =	vge.s32 v11, s17;
	v61 =	vor.u32 v17, v18;
	[tilespmem:v7+s0+$0x0] =	vst.idx.add.f32.msk vm4, v2;
	v6 =	vor.u32 v3, v6  }
0x124: {  	vm15 =	vge.s32 v5, s17;
	v62 =	vor.u32 v13, v47;
	v63 =	vor.u32 v3, v61;
	[tilespmem:v15+s0+$0x0] =	vst.idx.add.f32.msk vm3, v2  }
0x125: {  	p0 =	seq.s32 s16, $0x17;
	v3 =	vor.u32 v3, v62;
	[tilespmem:v14+s0+$0x0] =	vst.idx.add.f32.msk vm5, v2  }
.Ltmp6:
0x126: {  	[tilespmem:v16+s0+$0x0] =	vst.idx.add.f32.msk vm6, v2;
	(pc) =	sbr.rel @p0 .LBB2_8-.Ltmp6, $4  }
0x127: {  	[tilespmem:v60+s0+$0x0] =	vst.idx.add.f32.msk vm0, v2  }
0x128: {  	[tilespmem:v6+s0+$0x0] =	vst.idx.add.f32.msk vm13, v2  }
0x129: {  	[tilespmem:v63+s0+$0x0] =	vst.idx.add.f32.msk vm14, v2  }
0x12a: {  	[tilespmem:v3+s0+$0x0] =	vst.idx.add.f32.msk vm15, v2  }
0x12b: {  	p0 =	seq.s32 s16, $0xF  }
0x12c: {  	s1 =	simm.s32 @p0 $0x0;
	s3 =	simm.s32 @p0 $0x8400  }
0x12d: {  	[hbm4b:s6+s1] =	stream.linear.scatter @p0 [tilespmem:s3], [sflag:$0x3], $0x400, $0x38;
	[tilespmem:$0x12000] =	vst v63  }
0x12e: {  	s4 =	simm.s32 @p0 $0x9400;
	s3 =	sadd.s32 @p0 $0x4000, s6  }
0x12f: {  	[hbm4b:s3+s1] =	stream.linear.scatter @p0 [tilespmem:s4], [sflag:$0x3], $0x400, $0x38;
	[tilespmem:$0x12000] =	vst v63  }
0x130: {  	s3 =	sadd.s32 @p0 $0x8000, s6;
	s4 =	simm.s32 @p0 $0xA400  }
0x131: {  	[hbm4b:s3+s1] =	stream.linear.scatter @p0 [tilespmem:s4], [sflag:$0x3], $0x400, $0x38;
	[tilespmem:$0x12000] =	vst v63  }
0x132: {  	s3 =	sadd.s32 @p0 $0xC000, s6;
	s4 =	simm.s32 @p0 $0xB400  }
0x133: {  	[hbm4b:s3+s1] =	stream.linear.scatter @p0 [tilespmem:s4], [sflag:$0x3], $0x400, $0x38;
	[tilespmem:$0x12000] =	vst v63  }
0x134: {  	s3 =	sadd.s32 @p0 $0x10000, s6;
	s4 =	simm.s32 @p0 $0xC400  }
0x135: {  	[hbm4b:s3+s1] =	stream.linear.scatter @p0 [tilespmem:s4], [sflag:$0x3], $0x400, $0x38;
	[tilespmem:$0x12000] =	vst v63  }
0x136: {  	s3 =	sadd.s32 @p0 $0x14000, s6;
	s4 =	simm.s32 @p0 $0xD400  }
0x137: {  	[hbm4b:s3+s1] =	stream.linear.scatter @p0 [tilespmem:s4], [sflag:$0x3], $0x400, $0x38;
	[tilespmem:$0x12000] =	vst v63  }
0x138: {  	s3 =	sadd.s32 @p0 $0x18000, s6;
	s4 =	simm.s32 @p0 $0xE400  }
0x139: {  	[hbm4b:s3+s1] =	stream.linear.scatter @p0 [tilespmem:s4], [sflag:$0x3], $0x400, $0x38;
	[tilespmem:$0x12000] =	vst v63  }
0x13a: {  	s3 =	sadd.s32 @p0 $0x1C000, s6;
	s4 =	simm.s32 @p0 $0xF400  }
0x13b: {  	[hbm4b:s3+s1] =	stream.linear.scatter @p0 [tilespmem:s4], [sflag:$0x3], $0x400, $0x38;
	[tilespmem:$0x12000] =	vst v63  }
0x13c: {  	s3 =	sadd.s32 @p0 $0x20000, s6;
	s4 =	simm.s32 @p0 $0x10400  }
0x13d: {  	[hbm4b:s3+s1] =	stream.linear.scatter @p0 [tilespmem:s4], [sflag:$0x3], $0x400, $0x38;
	[tilespmem:$0x12000] =	vst v63  }
0x13e: {  	p1 =	sne.s32 @!p0 s16, $0x7;
	s3 =	sadd.s32 @p0 $0x24000, s6;
	s4 =	simm.s32 @p0 $0x11400  }
0x13f: {  	[hbm4b:s3+s1] =	stream.linear.scatter @p0 [tilespmem:s4], [sflag:$0x3], $0x400, $0x38;
	[tilespmem:$0x12000] =	vst v63  }
0x140: {  	p0 =	por p1, p0  }
0x141: {  	s1 =	simm.s32 @!p0 $0x1  }
0x142: {  	_ =	swait.ge @!p0 [sflag:s1], $0x4000  }
0x143: {  	[sflag:s1] =	ssyncset.done @!p0 $0x0  }
0x144: {  	s3 =	simm.s32 @!p0 $0x8000;
	[sflag:s1] =	ssyncadd.s32 @!p0 $0xFFFFC000;
	s1 =	simm.s32 @!p0 $0x0  }
0x145: {  	[hbm4b:s5+s1] =	stream.linear.scatter @!p0 [tilespmem:s3], [sflag:$0x2], $0x400, $0x38;
	[tilespmem:$0x12000] =	vst v63  }
0x146: {  	s4 =	simm.s32 @!p0 $0x9000;
	s3 =	sadd.s32 @!p0 $0x4000, s5  }
0x147: {  	[hbm4b:s3+s1] =	stream.linear.scatter @!p0 [tilespmem:s4], [sflag:$0x2], $0x400, $0x38;
	[tilespmem:$0x12000] =	vst v63  }
0x148: {  	s3 =	sadd.s32 @!p0 $0x8000, s5;
	s4 =	simm.s32 @!p0 $0xA000  }
0x149: {  	[hbm4b:s3+s1] =	stream.linear.scatter @!p0 [tilespmem:s4], [sflag:$0x2], $0x400, $0x38;
	[tilespmem:$0x12000] =	vst v63  }
0x14a: {  	s3 =	sadd.s32 @!p0 $0xC000, s5;
	s4 =	simm.s32 @!p0 $0xB000  }
0x14b: {  	[hbm4b:s3+s1] =	stream.linear.scatter @!p0 [tilespmem:s4], [sflag:$0x2], $0x400, $0x38;
	[tilespmem:$0x12000] =	vst v63  }
0x14c: {  	s3 =	sadd.s32 @!p0 $0x10000, s5;
	s4 =	simm.s32 @!p0 $0xC000  }
0x14d: {  	[hbm4b:s3+s1] =	stream.linear.scatter @!p0 [tilespmem:s4], [sflag:$0x2], $0x400, $0x38;
	[tilespmem:$0x12000] =	vst v63  }
0x14e: {  	s3 =	sadd.s32 @!p0 $0x14000, s5;
	s4 =	simm.s32 @!p0 $0xD000  }
0x14f: {  	[hbm4b:s3+s1] =	stream.linear.scatter @!p0 [tilespmem:s4], [sflag:$0x2], $0x400, $0x38;
	[tilespmem:$0x12000] =	vst v63  }
0x150: {  	s3 =	sadd.s32 @!p0 $0x18000, s5;
	s4 =	simm.s32 @!p0 $0xE000  }
0x151: {  	[hbm4b:s3+s1] =	stream.linear.scatter @!p0 [tilespmem:s4], [sflag:$0x2], $0x400, $0x38;
	[tilespmem:$0x12000] =	vst v63  }
0x152: {  	s3 =	sadd.s32 @!p0 $0x1C000, s5;
	s4 =	simm.s32 @!p0 $0xF000  }
0x153: {  	[hbm4b:s3+s1] =	stream.linear.scatter @!p0 [tilespmem:s4], [sflag:$0x2], $0x400, $0x38;
	[tilespmem:$0x12000] =	vst v63  }
.Ltmp7:
0x154: {  	_ = 	snop;
	(pc) =	sbr.rel .LBB2_9-.Ltmp7, $4  }
0x155: {  	s3 =	sadd.s32 @!p0 $0x20000, s5;
	s4 =	simm.s32 @!p0 $0x10000  }
0x156: {  	[hbm4b:s3+s1] =	stream.linear.scatter @!p0 [tilespmem:s4], [sflag:$0x2], $0x400, $0x38;
	[tilespmem:$0x12000] =	vst v63  }
0x157: {  	s3 =	sadd.s32 @!p0 $0x24000, s5;
	s4 =	simm.s32 @!p0 $0x11000  }
0x158: {  	[hbm4b:s3+s1] =	stream.linear.scatter @!p0 [tilespmem:s4], [sflag:$0x2], $0x400, $0x38;
	[tilespmem:$0x12000] =	vst v63  }
.LBB2_11:
0x159: {  	_ =	sfence.sel $0x180000  }
0x15a: {  	[bflag:$0x0] =	sbarrier.arrive $0xFFFF  }
0x15b: {  	_ =	strace $0x90000047  }
0x15c: {  	s0 =	stileid.u32;
	[bflag:$0x2] =	sbarrier.arrive $0xFFFF  }
0x15d: {  	p0 =	sne.s32 s0, $0x0;
	s0 =	rddreg [dreg:$0x2]  }
0x15e: {  	s0 =	sadd.s32 @!p0 $0x100000, s0  }
0x15f: {  	[sflag:s0] =	ssyncadd.tile.s32 @!p0 $0x1;
	_ =	shalt  }
.Lfunc_end2:
_tile_overlayer_lowered:
.L_overlay_start_2:
0x160: {  	(tag) =	ssettag $0x2  }
0x161: {  	s0 =	rddreg [dreg:$0x0];
	s2 =	stileid.u32  }
0x162: {  	s1 =	rddreg [dreg:$0x1];
	p0 =	sne.s32 s2, $0x0  }
0x163: {  	s3 =	rddreg [dreg:$0x2];
	[bflag:$0x3] =	sbarrier.arrive $0xFFFF;
	s2 =	simm.s32 @!p0 $0x1C04  }
0x164: {  	[timem:s3], [sflag:s2] =	dma.local @!p0 [hbm:s0], s1  }
0x165: {  	s0 =	simm.s32 @!p0 $0x4  }
0x166: {  	_ =	swait.ge @!p0 [sflag:s0], s1  }
0x167: {  	s1 =	ssub.s32 @!p0 $0x0, s1;
	[sflag:s0] =	ssyncset.done @!p0 $0x0  }
0x168: {  	[sflag:s0] =	ssyncadd.s32 @!p0 s1  }
0x169: {  	[bflag:$0x3] =	sbarrier.arrive $0xFFFF  }
0x16a: {  	_ =	shalt  }

</sc_bundles>
